<compile_context>
chip_gen: v7x
topology: tpu7x:2x2x1
jax: 0.10.2.dev20260603
libtpu: 0.0.44.dev20260713+nightly
codegen_flags: <defaults>
</compile_context>

<pallas_src>
import functools
import math

import jax
import jax.numpy as jnp
import numpy as np
from jax import lax
from jax.experimental import pallas as pl
from jax.experimental.pallas import tpu as pltpu
from jax.experimental.pallas import tpu_sc as plsc

_DIM = 128
_BITS = 4
_N_LEVELS = 2 ** _BITS


def _lm_levels(bits: int, n_iter: int = 200) -> np.ndarray:
    n = 2 ** bits
    xs = np.linspace(-10.0, 10.0, 400001)
    pdf = np.exp(-np.abs(xs) * math.sqrt(2.0))
    levels = np.linspace(-3.0, 3.0, n)
    for _ in range(n_iter):
        b = (levels[:-1] + levels[1:]) / 2.0
        idx = np.searchsorted(b, xs)
        num = np.bincount(idx, weights=pdf * xs, minlength=n)
        den = np.bincount(idx, weights=pdf, minlength=n)
        levels = np.where(den > 1e-12, num / np.maximum(den, 1e-12), levels)
    return np.sort(levels).astype(np.float32)


_LEVELS = _lm_levels(_BITS)
_BOUNDS = ((_LEVELS[:-1] + _LEVELS[1:]) / 2.0).astype(np.float32)

_NC, _NS, _L = 2, 16, 16
_NW = _NC * _NS
_CH = 128
_UNROLL = 8
_NACC = 4


def _rsqrt_newton(v):
    i = lax.bitcast_convert_type(v, jnp.int32)
    i = jnp.int32(0x5F3759DF) - lax.shift_right_logical(i, 1)
    y = lax.bitcast_convert_type(i, jnp.float32)
    for _ in range(4):
        y = y * (1.5 - 0.5 * v * y * y)
    return y


def _make_sc_kernel(rows):
    rows_per_w = rows // _NW
    n_chunks = rows_per_w // _CH
    n_groups = _CH // _L
    mesh = plsc.VectorSubcoreMesh(core_axis_name="c", subcore_axis_name="s")

    @functools.partial(
        pl.kernel,
        out_type=jax.ShapeDtypeStruct((rows, _DIM), jnp.float32),
        mesh=mesh,
        scratch_types=[
            pltpu.VMEM((_CH, _DIM), jnp.float32),
            pltpu.VMEM((_CH, _DIM), jnp.float32),
        ],
        compiler_params=pltpu.CompilerParams(needs_layout_passes=False),
    )
    def sc_kernel(x_hbm, out_hbm, xv, ov):
        wid = lax.axis_index("s") * _NC + lax.axis_index("c")
        lanes = lax.broadcasted_iota(jnp.int32, (_L,), 0)

        def chunk_body(ci, _):
            base = (wid * n_chunks + ci) * _CH
            pltpu.sync_copy(x_hbm.at[pl.ds(base, _CH)], xv)

            def group_body(g, _):
                rr = g * _L + lanes
                big = jnp.full((_L,), jnp.inf, jnp.float32)
                zero = jnp.zeros((_L,), jnp.float32)

                def stats(jj, carry):
                    ms, sms, sqs = map(list, carry)
                    ts = [plsc.load_gather(xv, [rr, jnp.full((_L,), jj + u, jnp.int32)])
                          for u in range(_UNROLL)]
                    for u in range(_UNROLL):
                        p = u % _NACC
                        ms[p] = jnp.minimum(ms[p], ts[u])
                        sms[p] = sms[p] + ts[u]
                        sqs[p] = sqs[p] + ts[u] * ts[u]
                    return tuple(ms), tuple(sms), tuple(sqs)

                carry0 = ((big,) * _NACC, (zero,) * _NACC, (zero,) * _NACC)
                ms, sms, sqs = plsc.parallel_loop(
                    0, _DIM, step=_UNROLL, carry=carry0)(stats)
                m = jnp.minimum(jnp.minimum(ms[0], ms[1]),
                                jnp.minimum(ms[2], ms[3]))
                sm = (sms[0] + sms[1]) + (sms[2] + sms[3])
                sq = (sqs[0] + sqs[1]) + (sqs[2] + sqs[3])

                ssq = sq - (2.0 * m) * sm + jnp.float32(_DIM) * (m * m)
                ssq = jnp.maximum(ssq, 0.0) + 1e-35
                y = _rsqrt_newton(ssq)
                s = ssq * y * (1.0 / math.sqrt(_DIM)) + 1e-10
                tb = [jnp.float32(_BOUNDS[b]) * s for b in range(7, 15)]

                def quant(jj, carry):
                    nums, dens = map(list, carry)
                    jvs = [jnp.full((_L,), jj + u, jnp.int32)
                           for u in range(_UNROLL)]
                    ts = [plsc.load_gather(xv, [rr, jvs[u]])
                          for u in range(_UNROLL)]
                    for u in range(_UNROLL):
                        xc = ts[u] - m
                        recon = jnp.full((_L,), _LEVELS[7], jnp.float32)
                        for k in range(8):
                            recon = jnp.where(xc > tb[k],
                                              jnp.float32(_LEVELS[8 + k]), recon)
                        plsc.store_scatter(ov, [rr, jvs[u]], recon)
                        p = u % _NACC
                        nums[p] = nums[p] + xc * recon
                        dens[p] = dens[p] + recon * recon
                    return tuple(nums), tuple(dens)

                nums, dens = plsc.parallel_loop(
                    0, _DIM, step=_UNROLL,
                    carry=((zero,) * _NACC, (zero,) * _NACC))(quant)
                num = (nums[0] + nums[1]) + (nums[2] + nums[3])
                den = (dens[0] + dens[1]) + (dens[2] + dens[3])
                gamma = num / den

                def finish(jj):
                    for u in range(_UNROLL):
                        jv = jnp.full((_L,), jj + u, jnp.int32)
                        r = plsc.load_gather(ov, [rr, jv])
                        plsc.store_scatter(ov, [rr, jv], r * gamma + m)

                plsc.parallel_loop(0, _DIM, step=_UNROLL)(finish)
                return 0

            lax.fori_loop(0, n_groups, group_body, 0)
            pltpu.sync_copy(ov, out_hbm.at[pl.ds(base, _CH)])
            return 0

        lax.fori_loop(0, n_chunks, chunk_body, 0)

    return sc_kernel


def kernel(x):
    shape = x.shape
    rows = math.prod(shape[:-1])
    xf = x.reshape(rows, _DIM)
    out = _make_sc_kernel(rows)(xf)
    return out.reshape(shape)

# --- scband reference (transcript-rebuilt; emitter-appended) ---
"""Pipeline reference for scband-turbo-quant-value-73177652789666 (READ-ONLY COPY).

The authoritative reference and input builder live on the scoring server;
editing this copy changes nothing except your own understanding.
"""

import math
import jax, jax.numpy as jnp
import numpy as np

DIM = 128
BITS = 4
GROUP_SIZE = 128
N_GROUPS = DIM // GROUP_SIZE
N_LEVELS = 2 ** BITS


def _lloyd_max_levels(bits: int, n_iter: int = 200) -> np.ndarray:
    # Lloyd-Max optimal scalar quantizer levels for a unit-variance Laplacian
    # (scale b = 1/sqrt(2)), computed on a fine analytic grid.
    n = 2 ** bits
    xs = np.linspace(-10.0, 10.0, 400001)
    pdf = np.exp(-np.abs(xs) * math.sqrt(2.0))
    levels = np.linspace(-3.0, 3.0, n)
    for _ in range(n_iter):
        b = (levels[:-1] + levels[1:]) / 2.0
        idx = np.searchsorted(b, xs)
        num = np.bincount(idx, weights=pdf * xs, minlength=n)
        den = np.bincount(idx, weights=pdf, minlength=n)
        levels = np.where(den > 1e-12, num / np.maximum(den, 1e-12), levels)
    return np.sort(levels).astype(np.float32)


_LEVELS_NP = _lloyd_max_levels(BITS)
_BOUNDS_NP = ((_LEVELS_NP[:-1] + _LEVELS_NP[1:]) / 2.0).astype(np.float32)


def lloyd_max_quantize(x):
    bounds = jnp.asarray(_BOUNDS_NP)
    return jnp.clip(jnp.searchsorted(bounds, x), 0, N_LEVELS - 1)


def lloyd_max_dequantize(idx):
    levels = jnp.asarray(_LEVELS_NP)
    return jnp.take(levels, idx, axis=0)


def pack_indices(indices):
    # bits=4 -> 2 values per byte, LSB-first
    lo = indices[..., 0::2].astype(jnp.uint8)
    hi = indices[..., 1::2].astype(jnp.uint8)
    return jnp.bitwise_or(lo, jnp.left_shift(hi, 4))


def unpack_indices(packed, original_d):
    lo = jnp.bitwise_and(packed, jnp.uint8(0x0F)).astype(jnp.int32)
    hi = jnp.bitwise_and(jnp.right_shift(packed, 4), jnp.uint8(0x0F)).astype(jnp.int32)
    out = jnp.stack([lo, hi], axis=-1)
    return out.reshape(packed.shape[:-1] + (original_d,))


def setup_inputs(seed: int = 0) -> dict:
    key = jax.random.key(seed)
    x = jax.random.normal(key, (2, 32, 2048, 128), dtype=jnp.float32)
    return {"x": x}


def reference(x):
    shape = x.shape[:-1]
    xg = x.reshape(shape + (N_GROUPS, GROUP_SIZE))
    v_min = jnp.min(xg, axis=-1, keepdims=True)
    x_centered = xg - v_min
    v_scale = jnp.linalg.norm(x_centered, axis=-1, keepdims=True) / math.sqrt(GROUP_SIZE)
    x_unit = x_centered / (v_scale + 1e-10)
    idx = lloyd_max_quantize(x_unit)
    unit_recon = lloyd_max_dequantize(idx)
    numerator = (x_centered * unit_recon).sum(axis=-1, keepdims=True)
    denominator = (unit_recon * unit_recon).sum(axis=-1, keepdims=True) + 1e-10
    refined_gamma = numerator / denominator
    indices = idx.reshape(shape + (DIM,)).astype(jnp.uint8)
    scales = refined_gamma.reshape(shape + (N_GROUPS,))
    zero_points = v_min.reshape(shape + (N_GROUPS,))
    packed = pack_indices(indices)
    # dequantize
    unpacked = unpack_indices(packed, DIM)
    indices_grouped = unpacked.reshape(shape + (N_GROUPS, GROUP_SIZE))
    scales_grouped = scales.reshape(shape + (N_GROUPS, 1))
    zp_grouped = zero_points.reshape(shape + (N_GROUPS, 1))
    ur = lloyd_max_dequantize(indices_grouped.astype(jnp.int32))
    reconstructed = ur * scales_grouped + zp_grouped
    return reconstructed.reshape(shape + (DIM,))

if __name__ == "__main__":
    import jax
    _d = setup_inputs()
    print(jax.jit(kernel)(*tuple(_d.values())))

</pallas_src>

<mosaic_0001>
#map = affine_map<(d0, d1) -> (0, 0)>
module attributes {stable_mosaic.version = 14 : i64} {
  func.func @sc_kernel(%arg0: i32, %arg1: i32, %arg2: memref<131072x128xf32, #tpu.memory_space<hbm>>, %arg3: memref<131072x128xf32, #tpu.memory_space<hbm>>, %arg4: memref<128x128xf32, #tpu.memory_space<vmem>>, %arg5: memref<128x128xf32, #tpu.memory_space<vmem>>) attributes {dimension_semantics = [#tpu.dimension_semantics<core_parallel>, #tpu.dimension_semantics<subcore_parallel>], iteration_bounds = array<i64: 2, 16>, scalar_prefetch = 0 : i64, scratch_operands = 2 : i64, tpu.core_type = #tpu.core_type<sc_vector_subcore>, window_params = [{transform_indices = #map}, {transform_indices = #map}]} {
    %mul3A = arith.constant 2 : i32
    %mul3A_0 = arith.muli %arg1, %mul3A : i32
    %add3A = arith.addi %mul3A_0, %arg0 : i32
    %iota3A = tpu.iota {dimensions = array<i32: 0>} : vector<16xi32>
    %scan3A = arith.constant 0 : i32
    %scan3A_1 = arith.constant 0 : i32
    %scan3A_2 = arith.constant 32 : i32
    %scan3A_3 = arith.addi %scan3A_1, %scan3A_2 : i32
    %scan3A_4 = arith.constant 1 : i32
    %scan3A_5 = scf.for %scan3A_7 = %scan3A_1 to %scan3A_3 step %scan3A_4 iter_args(%scan3A_8 = %scan3A) -> (i32)  : i32 {
      %mul3A_9 = arith.constant 32 : i32
      %mul3A_10 = arith.muli %add3A, %mul3A_9 : i32
      %add3A_11 = arith.addi %mul3A_10, %scan3A_7 : i32
      %mul3A_12 = arith.constant 128 : i32
      %mul3A_13 = arith.muli %add3A_11, %mul3A_12 : i32
      "tpu.region"() ({
        %run_scoped3A = tpu.sem_alloc : memref<!tpu.dma_semaphore, #tpu.memory_space<semaphore_mem>>
        %dma_start3A = arith.constant 0 : i32
        %dma_start3A_22 = tpu.memref_slice %arg2[%mul3A_13, %dma_start3A] : memref<131072x128xf32, #tpu.memory_space<hbm>> -> memref<128x128xf32, #tpu.memory_space<hbm>>
        %dma_start3A_23 = arith.constant 0 : i32
        %dma_start3A_24 = tpu.memref_slice %arg2[%mul3A_13, %dma_start3A_23] : memref<131072x128xf32, #tpu.memory_space<hbm>> -> memref<128x128xf32, #tpu.memory_space<hbm>>
        tpu.enqueue_dma source(%dma_start3A_24 : memref<128x128xf32, #tpu.memory_space<hbm>>) target(%arg4 : memref<128x128xf32, #tpu.memory_space<vmem>>) target_semaphore(%run_scoped3A : memref<!tpu.dma_semaphore, #tpu.memory_space<semaphore_mem>>)
        %dma_wait3A = arith.constant 0 : i32
        %dma_wait3A_25 = tpu.memref_slice %arg2[%mul3A_13, %dma_wait3A] : memref<131072x128xf32, #tpu.memory_space<hbm>> -> memref<128x128xf32, #tpu.memory_space<hbm>>
        %dma_wait3A_26 = arith.constant 0 : i32
        %dma_wait3A_27 = tpu.memref_slice %arg2[%mul3A_13, %dma_wait3A_26] : memref<131072x128xf32, #tpu.memory_space<hbm>> -> memref<128x128xf32, #tpu.memory_space<hbm>>
        tpu.wait_dma2 semaphore(%run_scoped3A : memref<!tpu.dma_semaphore, #tpu.memory_space<semaphore_mem>>) src(%dma_wait3A_27 : memref<128x128xf32, #tpu.memory_space<hbm>>) dst(%arg4 : memref<128x128xf32, #tpu.memory_space<vmem>>)
        tpu.yield
      }) : () -> ()
      %scan3A_14 = arith.constant 0 : i32
      %scan3A_15 = arith.constant 0 : i32
      %scan3A_16 = arith.constant 8 : i32
      %scan3A_17 = arith.addi %scan3A_15, %scan3A_16 : i32
      %scan3A_18 = arith.constant 1 : i32
      %scan3A_19 = scf.for %scan3A_22 = %scan3A_15 to %scan3A_17 step %scan3A_18 iter_args(%scan3A_23 = %scan3A_14) -> (i32)  : i32 {
        %mul3A_24 = arith.constant 16 : i32
        %mul3A_25 = arith.muli %scan3A_22, %mul3A_24 : i32
        %add3A_26 = vector.broadcast %mul3A_25 : i32 to vector<16xi32>
        %add3A_27 = arith.addi %add3A_26, %iota3A : vector<16xi32>
        %broadcast_in_dim3A = arith.constant 0x7F800000 : f32
        %broadcast_in_dim3A_28 = vector.broadcast %broadcast_in_dim3A : f32 to vector<16xf32>
        %broadcast_in_dim3A_29 = arith.constant 0.000000e+00 : f32
        %broadcast_in_dim3A_30 = vector.broadcast %broadcast_in_dim3A_29 : f32 to vector<16xf32>
        %parallel_loop3A = arith.constant 0 : i32
        %parallel_loop3A_31 = arith.constant 128 : i32
        %parallel_loop3A_32 = arith.constant 8 : i32
        %parallel_loop3A_33:12 = scf.for %parallel_loop3A_143 = %parallel_loop3A to %parallel_loop3A_31 step %parallel_loop3A_32 iter_args(%parallel_loop3A_144 = %broadcast_in_dim3A_28, %parallel_loop3A_145 = %broadcast_in_dim3A_28, %parallel_loop3A_146 = %broadcast_in_dim3A_28, %parallel_loop3A_147 = %broadcast_in_dim3A_28, %parallel_loop3A_148 = %broadcast_in_dim3A_30, %parallel_loop3A_149 = %broadcast_in_dim3A_30, %parallel_loop3A_150 = %broadcast_in_dim3A_30, %parallel_loop3A_151 = %broadcast_in_dim3A_30, %parallel_loop3A_152 = %broadcast_in_dim3A_30, %parallel_loop3A_153 = %broadcast_in_dim3A_30, %parallel_loop3A_154 = %broadcast_in_dim3A_30, %parallel_loop3A_155 = %broadcast_in_dim3A_30) -> (vector<16xf32>, vector<16xf32>, vector<16xf32>, vector<16xf32>, vector<16xf32>, vector<16xf32>, vector<16xf32>, vector<16xf32>, vector<16xf32>, vector<16xf32>, vector<16xf32>, vector<16xf32>)  : i32 {
          %parallel_loop3A_156 = arith.constant 0 : i32
          %parallel_loop3A_157 = arith.addi %parallel_loop3A_143, %parallel_loop3A_156 : i32
          %parallel_loop3A_158 = vector.broadcast %parallel_loop3A_157 : i32 to vector<16xi32>
          %parallel_loop3A_159 = tpu.vector_load_idx %arg4[%add3A_27, %parallel_loop3A_158] : memref<128x128xf32, #tpu.memory_space<vmem>>[vector<16xi32>, vector<16xi32>], vector<16xf32>,
          %parallel_loop3A_160 = arith.constant 1 : i32
          %parallel_loop3A_161 = arith.addi %parallel_loop3A_143, %parallel_loop3A_160 : i32
          %parallel_loop3A_162 = vector.broadcast %parallel_loop3A_161 : i32 to vector<16xi32>
          %parallel_loop3A_163 = tpu.vector_load_idx %arg4[%add3A_27, %parallel_loop3A_162] : memref<128x128xf32, #tpu.memory_space<vmem>>[vector<16xi32>, vector<16xi32>], vector<16xf32>,
          %parallel_loop3A_164 = arith.constant 2 : i32
          %parallel_loop3A_165 = arith.addi %parallel_loop3A_143, %parallel_loop3A_164 : i32
          %parallel_loop3A_166 = vector.broadcast %parallel_loop3A_165 : i32 to vector<16xi32>
          %parallel_loop3A_167 = tpu.vector_load_idx %arg4[%add3A_27, %parallel_loop3A_166] : memref<128x128xf32, #tpu.memory_space<vmem>>[vector<16xi32>, vector<16xi32>], vector<16xf32>,
          %parallel_loop3A_168 = arith.constant 3 : i32
          %parallel_loop3A_169 = arith.addi %parallel_loop3A_143, %parallel_loop3A_168 : i32
          %parallel_loop3A_170 = vector.broadcast %parallel_loop3A_169 : i32 to vector<16xi32>
          %parallel_loop3A_171 = tpu.vector_load_idx %arg4[%add3A_27, %parallel_loop3A_170] : memref<128x128xf32, #tpu.memory_space<vmem>>[vector<16xi32>, vector<16xi32>], vector<16xf32>,
          %parallel_loop3A_172 = arith.constant 4 : i32
          %parallel_loop3A_173 = arith.addi %parallel_loop3A_143, %parallel_loop3A_172 : i32
          %parallel_loop3A_174 = vector.broadcast %parallel_loop3A_173 : i32 to vector<16xi32>
          %parallel_loop3A_175 = tpu.vector_load_idx %arg4[%add3A_27, %parallel_loop3A_174] : memref<128x128xf32, #tpu.memory_space<vmem>>[vector<16xi32>, vector<16xi32>], vector<16xf32>,
          %parallel_loop3A_176 = arith.constant 5 : i32
          %parallel_loop3A_177 = arith.addi %parallel_loop3A_143, %parallel_loop3A_176 : i32
          %parallel_loop3A_178 = vector.broadcast %parallel_loop3A_177 : i32 to vector<16xi32>
          %parallel_loop3A_179 = tpu.vector_load_idx %arg4[%add3A_27, %parallel_loop3A_178] : memref<128x128xf32, #tpu.memory_space<vmem>>[vector<16xi32>, vector<16xi32>], vector<16xf32>,
          %parallel_loop3A_180 = arith.constant 6 : i32
          %parallel_loop3A_181 = arith.addi %parallel_loop3A_143, %parallel_loop3A_180 : i32
          %parallel_loop3A_182 = vector.broadcast %parallel_loop3A_181 : i32 to vector<16xi32>
          %parallel_loop3A_183 = tpu.vector_load_idx %arg4[%add3A_27, %parallel_loop3A_182] : memref<128x128xf32, #tpu.memory_space<vmem>>[vector<16xi32>, vector<16xi32>], vector<16xf32>,
          %parallel_loop3A_184 = arith.constant 7 : i32
          %parallel_loop3A_185 = arith.addi %parallel_loop3A_143, %parallel_loop3A_184 : i32
          %parallel_loop3A_186 = vector.broadcast %parallel_loop3A_185 : i32 to vector<16xi32>
          %parallel_loop3A_187 = tpu.vector_load_idx %arg4[%add3A_27, %parallel_loop3A_186] : memref<128x128xf32, #tpu.memory_space<vmem>>[vector<16xi32>, vector<16xi32>], vector<16xf32>,
          %parallel_loop3A_188 = arith.minimumf %parallel_loop3A_144, %parallel_loop3A_159 : vector<16xf32>
          %parallel_loop3A_189 = arith.addf %parallel_loop3A_148, %parallel_loop3A_159 : vector<16xf32>
          %parallel_loop3A_190 = arith.mulf %parallel_loop3A_159, %parallel_loop3A_159 : vector<16xf32>
          %parallel_loop3A_191 = arith.addf %parallel_loop3A_152, %parallel_loop3A_190 : vector<16xf32>
          %parallel_loop3A_192 = arith.minimumf %parallel_loop3A_145, %parallel_loop3A_163 : vector<16xf32>
          %parallel_loop3A_193 = arith.addf %parallel_loop3A_149, %parallel_loop3A_163 : vector<16xf32>
          %parallel_loop3A_194 = arith.mulf %parallel_loop3A_163, %parallel_loop3A_163 : vector<16xf32>
          %parallel_loop3A_195 = arith.addf %parallel_loop3A_153, %parallel_loop3A_194 : vector<16xf32>
          %parallel_loop3A_196 = arith.minimumf %parallel_loop3A_146, %parallel_loop3A_167 : vector<16xf32>
          %parallel_loop3A_197 = arith.addf %parallel_loop3A_150, %parallel_loop3A_167 : vector<16xf32>
          %parallel_loop3A_198 = arith.mulf %parallel_loop3A_167, %parallel_loop3A_167 : vector<16xf32>
          %parallel_loop3A_199 = arith.addf %parallel_loop3A_154, %parallel_loop3A_198 : vector<16xf32>
          %parallel_loop3A_200 = arith.minimumf %parallel_loop3A_147, %parallel_loop3A_171 : vector<16xf32>
          %parallel_loop3A_201 = arith.addf %parallel_loop3A_151, %parallel_loop3A_171 : vector<16xf32>
          %parallel_loop3A_202 = arith.mulf %parallel_loop3A_171, %parallel_loop3A_171 : vector<16xf32>
          %parallel_loop3A_203 = arith.addf %parallel_loop3A_155, %parallel_loop3A_202 : vector<16xf32>
          %parallel_loop3A_204 = arith.minimumf %parallel_loop3A_188, %parallel_loop3A_175 : vector<16xf32>
          %parallel_loop3A_205 = arith.addf %parallel_loop3A_189, %parallel_loop3A_175 : vector<16xf32>
          %parallel_loop3A_206 = arith.mulf %parallel_loop3A_175, %parallel_loop3A_175 : vector<16xf32>
          %parallel_loop3A_207 = arith.addf %parallel_loop3A_191, %parallel_loop3A_206 : vector<16xf32>
          %parallel_loop3A_208 = arith.minimumf %parallel_loop3A_192, %parallel_loop3A_179 : vector<16xf32>
          %parallel_loop3A_209 = arith.addf %parallel_loop3A_193, %parallel_loop3A_179 : vector<16xf32>
          %parallel_loop3A_210 = arith.mulf %parallel_loop3A_179, %parallel_loop3A_179 : vector<16xf32>
          %parallel_loop3A_211 = arith.addf %parallel_loop3A_195, %parallel_loop3A_210 : vector<16xf32>
          %parallel_loop3A_212 = arith.minimumf %parallel_loop3A_196, %parallel_loop3A_183 : vector<16xf32>
          %parallel_loop3A_213 = arith.addf %parallel_loop3A_197, %parallel_loop3A_183 : vector<16xf32>
          %parallel_loop3A_214 = arith.mulf %parallel_loop3A_183, %parallel_loop3A_183 : vector<16xf32>
          %parallel_loop3A_215 = arith.addf %parallel_loop3A_199, %parallel_loop3A_214 : vector<16xf32>
          %parallel_loop3A_216 = arith.minimumf %parallel_loop3A_200, %parallel_loop3A_187 : vector<16xf32>
          %parallel_loop3A_217 = arith.addf %parallel_loop3A_201, %parallel_loop3A_187 : vector<16xf32>
          %parallel_loop3A_218 = arith.mulf %parallel_loop3A_187, %parallel_loop3A_187 : vector<16xf32>
          %parallel_loop3A_219 = arith.addf %parallel_loop3A_203, %parallel_loop3A_218 : vector<16xf32>
          scf.yield %parallel_loop3A_204, %parallel_loop3A_208, %parallel_loop3A_212, %parallel_loop3A_216, %parallel_loop3A_205, %parallel_loop3A_209, %parallel_loop3A_213, %parallel_loop3A_217, %parallel_loop3A_207, %parallel_loop3A_211, %parallel_loop3A_215, %parallel_loop3A_219 : vector<16xf32>, vector<16xf32>, vector<16xf32>, vector<16xf32>, vector<16xf32>, vector<16xf32>, vector<16xf32>, vector<16xf32>, vector<16xf32>, vector<16xf32>, vector<16xf32>, vector<16xf32>
        } {sc.loop_unroll_factor = 1 : i64, sc.parallel_access}
        %min3A = arith.minimumf %parallel_loop3A_33#0, %parallel_loop3A_33#1 : vector<16xf32>
        %min3A_34 = arith.minimumf %parallel_loop3A_33#2, %parallel_loop3A_33#3 : vector<16xf32>
        %min3A_35 = arith.minimumf %min3A, %min3A_34 : vector<16xf32>
        %add3A_36 = arith.addf %parallel_loop3A_33#4, %parallel_loop3A_33#5 : vector<16xf32>
        %add3A_37 = arith.addf %parallel_loop3A_33#6, %parallel_loop3A_33#7 : vector<16xf32>
        %add3A_38 = arith.addf %add3A_36, %add3A_37 : vector<16xf32>
        %add3A_39 = arith.addf %parallel_loop3A_33#8, %parallel_loop3A_33#9 : vector<16xf32>
        %add3A_40 = arith.addf %parallel_loop3A_33#10, %parallel_loop3A_33#11 : vector<16xf32>
        %add3A_41 = arith.addf %add3A_39, %add3A_40 : vector<16xf32>
        %mul3A_42 = arith.constant 2.000000e+00 : f32
        %mul3A_43 = vector.broadcast %mul3A_42 : f32 to vector<16xf32>
        %mul3A_44 = arith.mulf %mul3A_43, %min3A_35 : vector<16xf32>
        %mul3A_45 = arith.mulf %mul3A_44, %add3A_38 : vector<16xf32>
        %sub3A = arith.subf %add3A_41, %mul3A_45 : vector<16xf32>
        %mul3A_46 = arith.mulf %min3A_35, %min3A_35 : vector<16xf32>
        %mul3A_47 = arith.constant 1.280000e+02 : f32
        %mul3A_48 = vector.broadcast %mul3A_47 : f32 to vector<16xf32>
        %mul3A_49 = arith.mulf %mul3A_48, %mul3A_46 : vector<16xf32>
        %add3A_50 = arith.addf %sub3A, %mul3A_49 : vector<16xf32>
        %max3A = arith.constant 0.000000e+00 : f32
        %max3A_51 = vector.broadcast %max3A : f32 to vector<16xf32>
        %max3A_52 = arith.maximumf %add3A_50, %max3A_51 : vector<16xf32>
        %add3A_53 = arith.constant 1.000000e-35 : f32
        %add3A_54 = vector.broadcast %add3A_53 : f32 to vector<16xf32>
        %add3A_55 = arith.addf %max3A_52, %add3A_54 : vector<16xf32>
        %bitcast_convert_type3A = tpu.bitcast %add3A_55 : vector<16xf32> -> vector<16xi32>
        %shift_right_logical3A = arith.constant 1 : i32
        %shift_right_logical3A_56 = vector.broadcast %shift_right_logical3A : i32 to vector<16xi32>
        %shift_right_logical3A_57 = arith.shrui %bitcast_convert_type3A, %shift_right_logical3A_56 : vector<16xi32>
        %sub3A_58 = arith.constant 1597463007 : i32
        %sub3A_59 = vector.broadcast %sub3A_58 : i32 to vector<16xi32>
        %sub3A_60 = arith.subi %sub3A_59, %shift_right_logical3A_57 : vector<16xi32>
        %bitcast_convert_type3A_61 = tpu.bitcast %sub3A_60 : vector<16xi32> -> vector<16xf32>
        %mul3A_62 = arith.constant 5.000000e-01 : f32
        %mul3A_63 = vector.broadcast %mul3A_62 : f32 to vector<16xf32>
        %mul3A_64 = arith.mulf %mul3A_63, %add3A_55 : vector<16xf32>
        %mul3A_65 = arith.mulf %mul3A_64, %bitcast_convert_type3A_61 : vector<16xf32>
        %mul3A_66 = arith.mulf %mul3A_65, %bitcast_convert_type3A_61 : vector<16xf32>
        %sub3A_67 = arith.constant 1.500000e+00 : f32
        %sub3A_68 = vector.broadcast %sub3A_67 : f32 to vector<16xf32>
        %sub3A_69 = arith.subf %sub3A_68, %mul3A_66 : vector<16xf32>
        %mul3A_70 = arith.mulf %bitcast_convert_type3A_61, %sub3A_69 : vector<16xf32>
        %mul3A_71 = arith.constant 5.000000e-01 : f32
        %mul3A_72 = vector.broadcast %mul3A_71 : f32 to vector<16xf32>
        %mul3A_73 = arith.mulf %mul3A_72, %add3A_55 : vector<16xf32>
        %mul3A_74 = arith.mulf %mul3A_73, %mul3A_70 : vector<16xf32>
        %mul3A_75 = arith.mulf %mul3A_74, %mul3A_70 : vector<16xf32>
        %sub3A_76 = arith.constant 1.500000e+00 : f32
        %sub3A_77 = vector.broadcast %sub3A_76 : f32 to vector<16xf32>
        %sub3A_78 = arith.subf %sub3A_77, %mul3A_75 : vector<16xf32>
        %mul3A_79 = arith.mulf %mul3A_70, %sub3A_78 : vector<16xf32>
        %mul3A_80 = arith.constant 5.000000e-01 : f32
        %mul3A_81 = vector.broadcast %mul3A_80 : f32 to vector<16xf32>
        %mul3A_82 = arith.mulf %mul3A_81, %add3A_55 : vector<16xf32>
        %mul3A_83 = arith.mulf %mul3A_82, %mul3A_79 : vector<16xf32>
        %mul3A_84 = arith.mulf %mul3A_83, %mul3A_79 : vector<16xf32>
        %sub3A_85 = arith.constant 1.500000e+00 : f32
        %sub3A_86 = vector.broadcast %sub3A_85 : f32 to vector<16xf32>
        %sub3A_87 = arith.subf %sub3A_86, %mul3A_84 : vector<16xf32>
        %mul3A_88 = arith.mulf %mul3A_79, %sub3A_87 : vector<16xf32>
        %mul3A_89 = arith.constant 5.000000e-01 : f32
        %mul3A_90 = vector.broadcast %mul3A_89 : f32 to vector<16xf32>
        %mul3A_91 = arith.mulf %mul3A_90, %add3A_55 : vector<16xf32>
        %mul3A_92 = arith.mulf %mul3A_91, %mul3A_88 : vector<16xf32>
        %mul3A_93 = arith.mulf %mul3A_92, %mul3A_88 : vector<16xf32>
        %sub3A_94 = arith.constant 1.500000e+00 : f32
        %sub3A_95 = vector.broadcast %sub3A_94 : f32 to vector<16xf32>
        %sub3A_96 = arith.subf %sub3A_95, %mul3A_93 : vector<16xf32>
        %mul3A_97 = arith.mulf %mul3A_88, %sub3A_96 : vector<16xf32>
        %mul3A_98 = arith.mulf %add3A_55, %mul3A_97 : vector<16xf32>
        %mul3A_99 = arith.constant 0.0883883461 : f32
        %mul3A_100 = vector.broadcast %mul3A_99 : f32 to vector<16xf32>
        %mul3A_101 = arith.mulf %mul3A_98, %mul3A_100 : vector<16xf32>
        %add3A_102 = arith.constant 1.000000e-10 : f32
        %add3A_103 = vector.broadcast %add3A_102 : f32 to vector<16xf32>
        %add3A_104 = arith.addf %mul3A_101, %add3A_103 : vector<16xf32>
        %mul3A_105 = arith.constant 2.50004232E-5 : f32
        %mul3A_106 = vector.broadcast %mul3A_105 : f32 to vector<16xf32>
        %mul3A_107 = arith.mulf %mul3A_106, %add3A_104 : vector<16xf32>
        %mul3A_108 = arith.constant 0.264550954 : f32
        %mul3A_109 = vector.broadcast %mul3A_108 : f32 to vector<16xf32>
        %mul3A_110 = arith.mulf %mul3A_109, %add3A_104 : vector<16xf32>
        %mul3A_111 = arith.constant 0.566961408 : f32
        %mul3A_112 = vector.broadcast %mul3A_111 : f32 to vector<16xf32>
        %mul3A_113 = arith.mulf %mul3A_112, %add3A_104 : vector<16xf32>
        %mul3A_114 = arith.constant 0.920063436 : f32
        %mul3A_115 = vector.broadcast %mul3A_114 : f32 to vector<16xf32>
        %mul3A_116 = arith.mulf %mul3A_115, %add3A_104 : vector<16xf32>
        %mul3A_117 = arith.constant 1.34460568 : f32
        %mul3A_118 = vector.broadcast %mul3A_117 : f32 to vector<16xf32>
        %mul3A_119 = arith.mulf %mul3A_118, %add3A_104 : vector<16xf32>
        %mul3A_120 = arith.constant 1.8776511 : f32
        %mul3A_121 = vector.broadcast %mul3A_120 : f32 to vector<16xf32>
        %mul3A_122 = arith.mulf %mul3A_121, %add3A_104 : vector<16xf32>
        %mul3A_123 = arith.constant 2.59681129 : f32
        %mul3A_124 = vector.broadcast %mul3A_123 : f32 to vector<16xf32>
        %mul3A_125 = arith.mulf %mul3A_124, %add3A_104 : vector<16xf32>
        %mul3A_126 = arith.constant 3.72255158 : f32
        %mul3A_127 = vector.broadcast %mul3A_126 : f32 to vector<16xf32>
        %mul3A_128 = arith.mulf %mul3A_127, %add3A_104 : vector<16xf32>
        %parallel_loop3A_129 = arith.constant 0 : i32
        %parallel_loop3A_130 = arith.constant 128 : i32
        %parallel_loop3A_131 = arith.constant 8 : i32
        %parallel_loop3A_132:8 = scf.for %parallel_loop3A_143 = %parallel_loop3A_129 to %parallel_loop3A_130 step %parallel_loop3A_131 iter_args(%parallel_loop3A_144 = %broadcast_in_dim3A_30, %parallel_loop3A_145 = %broadcast_in_dim3A_30, %parallel_loop3A_146 = %broadcast_in_dim3A_30, %parallel_loop3A_147 = %broadcast_in_dim3A_30, %parallel_loop3A_148 = %broadcast_in_dim3A_30, %parallel_loop3A_149 = %broadcast_in_dim3A_30, %parallel_loop3A_150 = %broadcast_in_dim3A_30, %parallel_loop3A_151 = %broadcast_in_dim3A_30) -> (vector<16xf32>, vector<16xf32>, vector<16xf32>, vector<16xf32>, vector<16xf32>, vector<16xf32>, vector<16xf32>, vector<16xf32>)  : i32 {
          %parallel_loop3A_152 = arith.constant 0 : i32
          %parallel_loop3A_153 = arith.addi %parallel_loop3A_143, %parallel_loop3A_152 : i32
          %parallel_loop3A_154 = vector.broadcast %parallel_loop3A_153 : i32 to vector<16xi32>
          %parallel_loop3A_155 = arith.constant 1 : i32
          %parallel_loop3A_156 = arith.addi %parallel_loop3A_143, %parallel_loop3A_155 : i32
          %parallel_loop3A_157 = vector.broadcast %parallel_loop3A_156 : i32 to vector<16xi32>
          %parallel_loop3A_158 = arith.constant 2 : i32
          %parallel_loop3A_159 = arith.addi %parallel_loop3A_143, %parallel_loop3A_158 : i32
          %parallel_loop3A_160 = vector.broadcast %parallel_loop3A_159 : i32 to vector<16xi32>
          %parallel_loop3A_161 = arith.constant 3 : i32
          %parallel_loop3A_162 = arith.addi %parallel_loop3A_143, %parallel_loop3A_161 : i32
          %parallel_loop3A_163 = vector.broadcast %parallel_loop3A_162 : i32 to vector<16xi32>
          %parallel_loop3A_164 = arith.constant 4 : i32
          %parallel_loop3A_165 = arith.addi %parallel_loop3A_143, %parallel_loop3A_164 : i32
          %parallel_loop3A_166 = vector.broadcast %parallel_loop3A_165 : i32 to vector<16xi32>
          %parallel_loop3A_167 = arith.constant 5 : i32
          %parallel_loop3A_168 = arith.addi %parallel_loop3A_143, %parallel_loop3A_167 : i32
          %parallel_loop3A_169 = vector.broadcast %parallel_loop3A_168 : i32 to vector<16xi32>
          %parallel_loop3A_170 = arith.constant 6 : i32
          %parallel_loop3A_171 = arith.addi %parallel_loop3A_143, %parallel_loop3A_170 : i32
          %parallel_loop3A_172 = vector.broadcast %parallel_loop3A_171 : i32 to vector<16xi32>
          %parallel_loop3A_173 = arith.constant 7 : i32
          %parallel_loop3A_174 = arith.addi %parallel_loop3A_143, %parallel_loop3A_173 : i32
          %parallel_loop3A_175 = vector.broadcast %parallel_loop3A_174 : i32 to vector<16xi32>
          %parallel_loop3A_176 = tpu.vector_load_idx %arg4[%add3A_27, %parallel_loop3A_154] : memref<128x128xf32, #tpu.memory_space<vmem>>[vector<16xi32>, vector<16xi32>], vector<16xf32>,
          %parallel_loop3A_177 = tpu.vector_load_idx %arg4[%add3A_27, %parallel_loop3A_157] : memref<128x128xf32, #tpu.memory_space<vmem>>[vector<16xi32>, vector<16xi32>], vector<16xf32>,
          %parallel_loop3A_178 = tpu.vector_load_idx %arg4[%add3A_27, %parallel_loop3A_160] : memref<128x128xf32, #tpu.memory_space<vmem>>[vector<16xi32>, vector<16xi32>], vector<16xf32>,
          %parallel_loop3A_179 = tpu.vector_load_idx %arg4[%add3A_27, %parallel_loop3A_163] : memref<128x128xf32, #tpu.memory_space<vmem>>[vector<16xi32>, vector<16xi32>], vector<16xf32>,
          %parallel_loop3A_180 = tpu.vector_load_idx %arg4[%add3A_27, %parallel_loop3A_166] : memref<128x128xf32, #tpu.memory_space<vmem>>[vector<16xi32>, vector<16xi32>], vector<16xf32>,
          %parallel_loop3A_181 = tpu.vector_load_idx %arg4[%add3A_27, %parallel_loop3A_169] : memref<128x128xf32, #tpu.memory_space<vmem>>[vector<16xi32>, vector<16xi32>], vector<16xf32>,
          %parallel_loop3A_182 = tpu.vector_load_idx %arg4[%add3A_27, %parallel_loop3A_172] : memref<128x128xf32, #tpu.memory_space<vmem>>[vector<16xi32>, vector<16xi32>], vector<16xf32>,
          %parallel_loop3A_183 = tpu.vector_load_idx %arg4[%add3A_27, %parallel_loop3A_175] : memref<128x128xf32, #tpu.memory_space<vmem>>[vector<16xi32>, vector<16xi32>], vector<16xf32>,
          %parallel_loop3A_184 = arith.subf %parallel_loop3A_176, %min3A_35 : vector<16xf32>
          %parallel_loop3A_185 = arith.constant -0.124021165 : f32
          %parallel_loop3A_186 = vector.broadcast %parallel_loop3A_185 : f32 to vector<16xf32>
          %parallel_loop3A_187 = arith.cmpf ogt, %parallel_loop3A_184, %mul3A_107 : vector<16xf32>
          %parallel_loop3A_188 = arith.constant 0.124071166 : f32
          %parallel_loop3A_189 = vector.broadcast %parallel_loop3A_188 : f32 to vector<16xf32>
          %parallel_loop3A_190 = arith.select %parallel_loop3A_187, %parallel_loop3A_189, %parallel_loop3A_186 : vector<16xi1>, vector<16xf32>
          %parallel_loop3A_191 = arith.cmpf ogt, %parallel_loop3A_184, %mul3A_110 : vector<16xf32>
          %parallel_loop3A_192 = arith.constant 0.405030727 : f32
          %parallel_loop3A_193 = vector.broadcast %parallel_loop3A_192 : f32 to vector<16xf32>
          %parallel_loop3A_194 = arith.select %parallel_loop3A_191, %parallel_loop3A_193, %parallel_loop3A_190 : vector<16xi1>, vector<16xf32>
          %parallel_loop3A_195 = arith.cmpf ogt, %parallel_loop3A_184, %mul3A_113 : vector<16xf32>
          %parallel_loop3A_196 = arith.constant 0.728892088 : f32
          %parallel_loop3A_197 = vector.broadcast %parallel_loop3A_196 : f32 to vector<16xf32>
          %parallel_loop3A_198 = arith.select %parallel_loop3A_195, %parallel_loop3A_197, %parallel_loop3A_194 : vector<16xi1>, vector<16xf32>
          %parallel_loop3A_199 = arith.cmpf ogt, %parallel_loop3A_184, %mul3A_116 : vector<16xf32>
          %parallel_loop3A_200 = arith.constant 1.11123478 : f32
          %parallel_loop3A_201 = vector.broadcast %parallel_loop3A_200 : f32 to vector<16xf32>
          %parallel_loop3A_202 = arith.select %parallel_loop3A_199, %parallel_loop3A_201, %parallel_loop3A_198 : vector<16xi1>, vector<16xf32>
          %parallel_loop3A_203 = arith.cmpf ogt, %parallel_loop3A_184, %mul3A_119 : vector<16xf32>
          %parallel_loop3A_204 = arith.constant 1.57797647 : f32
          %parallel_loop3A_205 = vector.broadcast %parallel_loop3A_204 : f32 to vector<16xf32>
          %parallel_loop3A_206 = arith.select %parallel_loop3A_203, %parallel_loop3A_205, %parallel_loop3A_202 : vector<16xi1>, vector<16xf32>
          %parallel_loop3A_207 = arith.cmpf ogt, %parallel_loop3A_184, %mul3A_122 : vector<16xf32>
          %parallel_loop3A_208 = arith.constant 2.17732573 : f32
          %parallel_loop3A_209 = vector.broadcast %parallel_loop3A_208 : f32 to vector<16xf32>
          %parallel_loop3A_210 = arith.select %parallel_loop3A_207, %parallel_loop3A_209, %parallel_loop3A_206 : vector<16xi1>, vector<16xf32>
          %parallel_loop3A_211 = arith.cmpf ogt, %parallel_loop3A_184, %mul3A_125 : vector<16xf32>
          %parallel_loop3A_212 = arith.constant 3.01629686 : f32
          %parallel_loop3A_213 = vector.broadcast %parallel_loop3A_212 : f32 to vector<16xf32>
          %parallel_loop3A_214 = arith.select %parallel_loop3A_211, %parallel_loop3A_213, %parallel_loop3A_210 : vector<16xi1>, vector<16xf32>
          %parallel_loop3A_215 = arith.cmpf ogt, %parallel_loop3A_184, %mul3A_128 : vector<16xf32>
          %parallel_loop3A_216 = arith.constant 4.4288063 : f32
          %parallel_loop3A_217 = vector.broadcast %parallel_loop3A_216 : f32 to vector<16xf32>
          %parallel_loop3A_218 = arith.select %parallel_loop3A_215, %parallel_loop3A_217, %parallel_loop3A_214 : vector<16xi1>, vector<16xf32>
          tpu.vector_store_idx %arg5[%add3A_27, %parallel_loop3A_154], %parallel_loop3A_218 : memref<128x128xf32, #tpu.memory_space<vmem>>[vector<16xi32>, vector<16xi32>], vector<16xf32>,
          %parallel_loop3A_219 = arith.mulf %parallel_loop3A_184, %parallel_loop3A_218 : vector<16xf32>
          %parallel_loop3A_220 = arith.addf %parallel_loop3A_144, %parallel_loop3A_219 : vector<16xf32>
          %parallel_loop3A_221 = arith.mulf %parallel_loop3A_218, %parallel_loop3A_218 : vector<16xf32>
          %parallel_loop3A_222 = arith.addf %parallel_loop3A_148, %parallel_loop3A_221 : vector<16xf32>
          %parallel_loop3A_223 = arith.subf %parallel_loop3A_177, %min3A_35 : vector<16xf32>
          %parallel_loop3A_224 = arith.constant -0.124021165 : f32
          %parallel_loop3A_225 = vector.broadcast %parallel_loop3A_224 : f32 to vector<16xf32>
          %parallel_loop3A_226 = arith.cmpf ogt, %parallel_loop3A_223, %mul3A_107 : vector<16xf32>
          %parallel_loop3A_227 = arith.constant 0.124071166 : f32
          %parallel_loop3A_228 = vector.broadcast %parallel_loop3A_227 : f32 to vector<16xf32>
          %parallel_loop3A_229 = arith.select %parallel_loop3A_226, %parallel_loop3A_228, %parallel_loop3A_225 : vector<16xi1>, vector<16xf32>
          %parallel_loop3A_230 = arith.cmpf ogt, %parallel_loop3A_223, %mul3A_110 : vector<16xf32>
          %parallel_loop3A_231 = arith.constant 0.405030727 : f32
          %parallel_loop3A_232 = vector.broadcast %parallel_loop3A_231 : f32 to vector<16xf32>
          %parallel_loop3A_233 = arith.select %parallel_loop3A_230, %parallel_loop3A_232, %parallel_loop3A_229 : vector<16xi1>, vector<16xf32>
          %parallel_loop3A_234 = arith.cmpf ogt, %parallel_loop3A_223, %mul3A_113 : vector<16xf32>
          %parallel_loop3A_235 = arith.constant 0.728892088 : f32
          %parallel_loop3A_236 = vector.broadcast %parallel_loop3A_235 : f32 to vector<16xf32>
          %parallel_loop3A_237 = arith.select %parallel_loop3A_234, %parallel_loop3A_236, %parallel_loop3A_233 : vector<16xi1>, vector<16xf32>
          %parallel_loop3A_238 = arith.cmpf ogt, %parallel_loop3A_223, %mul3A_116 : vector<16xf32>
          %parallel_loop3A_239 = arith.constant 1.11123478 : f32
          %parallel_loop3A_240 = vector.broadcast %parallel_loop3A_239 : f32 to vector<16xf32>
          %parallel_loop3A_241 = arith.select %parallel_loop3A_238, %parallel_loop3A_240, %parallel_loop3A_237 : vector<16xi1>, vector<16xf32>
          %parallel_loop3A_242 = arith.cmpf ogt, %parallel_loop3A_223, %mul3A_119 : vector<16xf32>
          %parallel_loop3A_243 = arith.constant 1.57797647 : f32
          %parallel_loop3A_244 = vector.broadcast %parallel_loop3A_243 : f32 to vector<16xf32>
          %parallel_loop3A_245 = arith.select %parallel_loop3A_242, %parallel_loop3A_244, %parallel_loop3A_241 : vector<16xi1>, vector<16xf32>
          %parallel_loop3A_246 = arith.cmpf ogt, %parallel_loop3A_223, %mul3A_122 : vector<16xf32>
          %parallel_loop3A_247 = arith.constant 2.17732573 : f32
          %parallel_loop3A_248 = vector.broadcast %parallel_loop3A_247 : f32 to vector<16xf32>
          %parallel_loop3A_249 = arith.select %parallel_loop3A_246, %parallel_loop3A_248, %parallel_loop3A_245 : vector<16xi1>, vector<16xf32>
          %parallel_loop3A_250 = arith.cmpf ogt, %parallel_loop3A_223, %mul3A_125 : vector<16xf32>
          %parallel_loop3A_251 = arith.constant 3.01629686 : f32
          %parallel_loop3A_252 = vector.broadcast %parallel_loop3A_251 : f32 to vector<16xf32>
          %parallel_loop3A_253 = arith.select %parallel_loop3A_250, %parallel_loop3A_252, %parallel_loop3A_249 : vector<16xi1>, vector<16xf32>
          %parallel_loop3A_254 = arith.cmpf ogt, %parallel_loop3A_223, %mul3A_128 : vector<16xf32>
          %parallel_loop3A_255 = arith.constant 4.4288063 : f32
          %parallel_loop3A_256 = vector.broadcast %parallel_loop3A_255 : f32 to vector<16xf32>
          %parallel_loop3A_257 = arith.select %parallel_loop3A_254, %parallel_loop3A_256, %parallel_loop3A_253 : vector<16xi1>, vector<16xf32>
          tpu.vector_store_idx %arg5[%add3A_27, %parallel_loop3A_157], %parallel_loop3A_257 : memref<128x128xf32, #tpu.memory_space<vmem>>[vector<16xi32>, vector<16xi32>], vector<16xf32>,
          %parallel_loop3A_258 = arith.mulf %parallel_loop3A_223, %parallel_loop3A_257 : vector<16xf32>
          %parallel_loop3A_259 = arith.addf %parallel_loop3A_145, %parallel_loop3A_258 : vector<16xf32>
          %parallel_loop3A_260 = arith.mulf %parallel_loop3A_257, %parallel_loop3A_257 : vector<16xf32>
          %parallel_loop3A_261 = arith.addf %parallel_loop3A_149, %parallel_loop3A_260 : vector<16xf32>
          %parallel_loop3A_262 = arith.subf %parallel_loop3A_178, %min3A_35 : vector<16xf32>
          %parallel_loop3A_263 = arith.constant -0.124021165 : f32
          %parallel_loop3A_264 = vector.broadcast %parallel_loop3A_263 : f32 to vector<16xf32>
          %parallel_loop3A_265 = arith.cmpf ogt, %parallel_loop3A_262, %mul3A_107 : vector<16xf32>
          %parallel_loop3A_266 = arith.constant 0.124071166 : f32
          %parallel_loop3A_267 = vector.broadcast %parallel_loop3A_266 : f32 to vector<16xf32>
          %parallel_loop3A_268 = arith.select %parallel_loop3A_265, %parallel_loop3A_267, %parallel_loop3A_264 : vector<16xi1>, vector<16xf32>
          %parallel_loop3A_269 = arith.cmpf ogt, %parallel_loop3A_262, %mul3A_110 : vector<16xf32>
          %parallel_loop3A_270 = arith.constant 0.405030727 : f32
          %parallel_loop3A_271 = vector.broadcast %parallel_loop3A_270 : f32 to vector<16xf32>
          %parallel_loop3A_272 = arith.select %parallel_loop3A_269, %parallel_loop3A_271, %parallel_loop3A_268 : vector<16xi1>, vector<16xf32>
          %parallel_loop3A_273 = arith.cmpf ogt, %parallel_loop3A_262, %mul3A_113 : vector<16xf32>
          %parallel_loop3A_274 = arith.constant 0.728892088 : f32
          %parallel_loop3A_275 = vector.broadcast %parallel_loop3A_274 : f32 to vector<16xf32>
          %parallel_loop3A_276 = arith.select %parallel_loop3A_273, %parallel_loop3A_275, %parallel_loop3A_272 : vector<16xi1>, vector<16xf32>
          %parallel_loop3A_277 = arith.cmpf ogt, %parallel_loop3A_262, %mul3A_116 : vector<16xf32>
          %parallel_loop3A_278 = arith.constant 1.11123478 : f32
          %parallel_loop3A_279 = vector.broadcast %parallel_loop3A_278 : f32 to vector<16xf32>
          %parallel_loop3A_280 = arith.select %parallel_loop3A_277, %parallel_loop3A_279, %parallel_loop3A_276 : vector<16xi1>, vector<16xf32>
          %parallel_loop3A_281 = arith.cmpf ogt, %parallel_loop3A_262, %mul3A_119 : vector<16xf32>
          %parallel_loop3A_282 = arith.constant 1.57797647 : f32
          %parallel_loop3A_283 = vector.broadcast %parallel_loop3A_282 : f32 to vector<16xf32>
          %parallel_loop3A_284 = arith.select %parallel_loop3A_281, %parallel_loop3A_283, %parallel_loop3A_280 : vector<16xi1>, vector<16xf32>
          %parallel_loop3A_285 = arith.cmpf ogt, %parallel_loop3A_262, %mul3A_122 : vector<16xf32>
          %parallel_loop3A_286 = arith.constant 2.17732573 : f32
          %parallel_loop3A_287 = vector.broadcast %parallel_loop3A_286 : f32 to vector<16xf32>
          %parallel_loop3A_288 = arith.select %parallel_loop3A_285, %parallel_loop3A_287, %parallel_loop3A_284 : vector<16xi1>, vector<16xf32>
          %parallel_loop3A_289 = arith.cmpf ogt, %parallel_loop3A_262, %mul3A_125 : vector<16xf32>
          %parallel_loop3A_290 = arith.constant 3.01629686 : f32
          %parallel_loop3A_291 = vector.broadcast %parallel_loop3A_290 : f32 to vector<16xf32>
          %parallel_loop3A_292 = arith.select %parallel_loop3A_289, %parallel_loop3A_291, %parallel_loop3A_288 : vector<16xi1>, vector<16xf32>
          %parallel_loop3A_293 = arith.cmpf ogt, %parallel_loop3A_262, %mul3A_128 : vector<16xf32>
          %parallel_loop3A_294 = arith.constant 4.4288063 : f32
          %parallel_loop3A_295 = vector.broadcast %parallel_loop3A_294 : f32 to vector<16xf32>
          %parallel_loop3A_296 = arith.select %parallel_loop3A_293, %parallel_loop3A_295, %parallel_loop3A_292 : vector<16xi1>, vector<16xf32>
          tpu.vector_store_idx %arg5[%add3A_27, %parallel_loop3A_160], %parallel_loop3A_296 : memref<128x128xf32, #tpu.memory_space<vmem>>[vector<16xi32>, vector<16xi32>], vector<16xf32>,
          %parallel_loop3A_297 = arith.mulf %parallel_loop3A_262, %parallel_loop3A_296 : vector<16xf32>
          %parallel_loop3A_298 = arith.addf %parallel_loop3A_146, %parallel_loop3A_297 : vector<16xf32>
          %parallel_loop3A_299 = arith.mulf %parallel_loop3A_296, %parallel_loop3A_296 : vector<16xf32>
          %parallel_loop3A_300 = arith.addf %parallel_loop3A_150, %parallel_loop3A_299 : vector<16xf32>
          %parallel_loop3A_301 = arith.subf %parallel_loop3A_179, %min3A_35 : vector<16xf32>
          %parallel_loop3A_302 = arith.constant -0.124021165 : f32
          %parallel_loop3A_303 = vector.broadcast %parallel_loop3A_302 : f32 to vector<16xf32>
          %parallel_loop3A_304 = arith.cmpf ogt, %parallel_loop3A_301, %mul3A_107 : vector<16xf32>
          %parallel_loop3A_305 = arith.constant 0.124071166 : f32
          %parallel_loop3A_306 = vector.broadcast %parallel_loop3A_305 : f32 to vector<16xf32>
          %parallel_loop3A_307 = arith.select %parallel_loop3A_304, %parallel_loop3A_306, %parallel_loop3A_303 : vector<16xi1>, vector<16xf32>
          %parallel_loop3A_308 = arith.cmpf ogt, %parallel_loop3A_301, %mul3A_110 : vector<16xf32>
          %parallel_loop3A_309 = arith.constant 0.405030727 : f32
          %parallel_loop3A_310 = vector.broadcast %parallel_loop3A_309 : f32 to vector<16xf32>
          %parallel_loop3A_311 = arith.select %parallel_loop3A_308, %parallel_loop3A_310, %parallel_loop3A_307 : vector<16xi1>, vector<16xf32>
          %parallel_loop3A_312 = arith.cmpf ogt, %parallel_loop3A_301, %mul3A_113 : vector<16xf32>
          %parallel_loop3A_313 = arith.constant 0.728892088 : f32
          %parallel_loop3A_314 = vector.broadcast %parallel_loop3A_313 : f32 to vector<16xf32>
          %parallel_loop3A_315 = arith.select %parallel_loop3A_312, %parallel_loop3A_314, %parallel_loop3A_311 : vector<16xi1>, vector<16xf32>
          %parallel_loop3A_316 = arith.cmpf ogt, %parallel_loop3A_301, %mul3A_116 : vector<16xf32>
          %parallel_loop3A_317 = arith.constant 1.11123478 : f32
          %parallel_loop3A_318 = vector.broadcast %parallel_loop3A_317 : f32 to vector<16xf32>
          %parallel_loop3A_319 = arith.select %parallel_loop3A_316, %parallel_loop3A_318, %parallel_loop3A_315 : vector<16xi1>, vector<16xf32>
          %parallel_loop3A_320 = arith.cmpf ogt, %parallel_loop3A_301, %mul3A_119 : vector<16xf32>
          %parallel_loop3A_321 = arith.constant 1.57797647 : f32
          %parallel_loop3A_322 = vector.broadcast %parallel_loop3A_321 : f32 to vector<16xf32>
          %parallel_loop3A_323 = arith.select %parallel_loop3A_320, %parallel_loop3A_322, %parallel_loop3A_319 : vector<16xi1>, vector<16xf32>
          %parallel_loop3A_324 = arith.cmpf ogt, %parallel_loop3A_301, %mul3A_122 : vector<16xf32>
          %parallel_loop3A_325 = arith.constant 2.17732573 : f32
          %parallel_loop3A_326 = vector.broadcast %parallel_loop3A_325 : f32 to vector<16xf32>
          %parallel_loop3A_327 = arith.select %parallel_loop3A_324, %parallel_loop3A_326, %parallel_loop3A_323 : vector<16xi1>, vector<16xf32>
          %parallel_loop3A_328 = arith.cmpf ogt, %parallel_loop3A_301, %mul3A_125 : vector<16xf32>
          %parallel_loop3A_329 = arith.constant 3.01629686 : f32
          %parallel_loop3A_330 = vector.broadcast %parallel_loop3A_329 : f32 to vector<16xf32>
          %parallel_loop3A_331 = arith.select %parallel_loop3A_328, %parallel_loop3A_330, %parallel_loop3A_327 : vector<16xi1>, vector<16xf32>
          %parallel_loop3A_332 = arith.cmpf ogt, %parallel_loop3A_301, %mul3A_128 : vector<16xf32>
          %parallel_loop3A_333 = arith.constant 4.4288063 : f32
          %parallel_loop3A_334 = vector.broadcast %parallel_loop3A_333 : f32 to vector<16xf32>
          %parallel_loop3A_335 = arith.select %parallel_loop3A_332, %parallel_loop3A_334, %parallel_loop3A_331 : vector<16xi1>, vector<16xf32>
          tpu.vector_store_idx %arg5[%add3A_27, %parallel_loop3A_163], %parallel_loop3A_335 : memref<128x128xf32, #tpu.memory_space<vmem>>[vector<16xi32>, vector<16xi32>], vector<16xf32>,
          %parallel_loop3A_336 = arith.mulf %parallel_loop3A_301, %parallel_loop3A_335 : vector<16xf32>
          %parallel_loop3A_337 = arith.addf %parallel_loop3A_147, %parallel_loop3A_336 : vector<16xf32>
          %parallel_loop3A_338 = arith.mulf %parallel_loop3A_335, %parallel_loop3A_335 : vector<16xf32>
          %parallel_loop3A_339 = arith.addf %parallel_loop3A_151, %parallel_loop3A_338 : vector<16xf32>
          %parallel_loop3A_340 = arith.subf %parallel_loop3A_180, %min3A_35 : vector<16xf32>
          %parallel_loop3A_341 = arith.constant -0.124021165 : f32
          %parallel_loop3A_342 = vector.broadcast %parallel_loop3A_341 : f32 to vector<16xf32>
          %parallel_loop3A_343 = arith.cmpf ogt, %parallel_loop3A_340, %mul3A_107 : vector<16xf32>
          %parallel_loop3A_344 = arith.constant 0.124071166 : f32
          %parallel_loop3A_345 = vector.broadcast %parallel_loop3A_344 : f32 to vector<16xf32>
          %parallel_loop3A_346 = arith.select %parallel_loop3A_343, %parallel_loop3A_345, %parallel_loop3A_342 : vector<16xi1>, vector<16xf32>
          %parallel_loop3A_347 = arith.cmpf ogt, %parallel_loop3A_340, %mul3A_110 : vector<16xf32>
          %parallel_loop3A_348 = arith.constant 0.405030727 : f32
          %parallel_loop3A_349 = vector.broadcast %parallel_loop3A_348 : f32 to vector<16xf32>
          %parallel_loop3A_350 = arith.select %parallel_loop3A_347, %parallel_loop3A_349, %parallel_loop3A_346 : vector<16xi1>, vector<16xf32>
          %parallel_loop3A_351 = arith.cmpf ogt, %parallel_loop3A_340, %mul3A_113 : vector<16xf32>
          %parallel_loop3A_352 = arith.constant 0.728892088 : f32
          %parallel_loop3A_353 = vector.broadcast %parallel_loop3A_352 : f32 to vector<16xf32>
          %parallel_loop3A_354 = arith.select %parallel_loop3A_351, %parallel_loop3A_353, %parallel_loop3A_350 : vector<16xi1>, vector<16xf32>
          %parallel_loop3A_355 = arith.cmpf ogt, %parallel_loop3A_340, %mul3A_116 : vector<16xf32>
          %parallel_loop3A_356 = arith.constant 1.11123478 : f32
          %parallel_loop3A_357 = vector.broadcast %parallel_loop3A_356 : f32 to vector<16xf32>
          %parallel_loop3A_358 = arith.select %parallel_loop3A_355, %parallel_loop3A_357, %parallel_loop3A_354 : vector<16xi1>, vector<16xf32>
          %parallel_loop3A_359 = arith.cmpf ogt, %parallel_loop3A_340, %mul3A_119 : vector<16xf32>
          %parallel_loop3A_360 = arith.constant 1.57797647 : f32
          %parallel_loop3A_361 = vector.broadcast %parallel_loop3A_360 : f32 to vector<16xf32>
          %parallel_loop3A_362 = arith.select %parallel_loop3A_359, %parallel_loop3A_361, %parallel_loop3A_358 : vector<16xi1>, vector<16xf32>
          %parallel_loop3A_363 = arith.cmpf ogt, %parallel_loop3A_340, %mul3A_122 : vector<16xf32>
          %parallel_loop3A_364 = arith.constant 2.17732573 : f32
          %parallel_loop3A_365 = vector.broadcast %parallel_loop3A_364 : f32 to vector<16xf32>
          %parallel_loop3A_366 = arith.select %parallel_loop3A_363, %parallel_loop3A_365, %parallel_loop3A_362 : vector<16xi1>, vector<16xf32>
          %parallel_loop3A_367 = arith.cmpf ogt, %parallel_loop3A_340, %mul3A_125 : vector<16xf32>
          %parallel_loop3A_368 = arith.constant 3.01629686 : f32
          %parallel_loop3A_369 = vector.broadcast %parallel_loop3A_368 : f32 to vector<16xf32>
          %parallel_loop3A_370 = arith.select %parallel_loop3A_367, %parallel_loop3A_369, %parallel_loop3A_366 : vector<16xi1>, vector<16xf32>
          %parallel_loop3A_371 = arith.cmpf ogt, %parallel_loop3A_340, %mul3A_128 : vector<16xf32>
          %parallel_loop3A_372 = arith.constant 4.4288063 : f32
          %parallel_loop3A_373 = vector.broadcast %parallel_loop3A_372 : f32 to vector<16xf32>
          %parallel_loop3A_374 = arith.select %parallel_loop3A_371, %parallel_loop3A_373, %parallel_loop3A_370 : vector<16xi1>, vector<16xf32>
          tpu.vector_store_idx %arg5[%add3A_27, %parallel_loop3A_166], %parallel_loop3A_374 : memref<128x128xf32, #tpu.memory_space<vmem>>[vector<16xi32>, vector<16xi32>], vector<16xf32>,
          %parallel_loop3A_375 = arith.mulf %parallel_loop3A_340, %parallel_loop3A_374 : vector<16xf32>
          %parallel_loop3A_376 = arith.addf %parallel_loop3A_220, %parallel_loop3A_375 : vector<16xf32>
          %parallel_loop3A_377 = arith.mulf %parallel_loop3A_374, %parallel_loop3A_374 : vector<16xf32>
          %parallel_loop3A_378 = arith.addf %parallel_loop3A_222, %parallel_loop3A_377 : vector<16xf32>
          %parallel_loop3A_379 = arith.subf %parallel_loop3A_181, %min3A_35 : vector<16xf32>
          %parallel_loop3A_380 = arith.constant -0.124021165 : f32
          %parallel_loop3A_381 = vector.broadcast %parallel_loop3A_380 : f32 to vector<16xf32>
          %parallel_loop3A_382 = arith.cmpf ogt, %parallel_loop3A_379, %mul3A_107 : vector<16xf32>
          %parallel_loop3A_383 = arith.constant 0.124071166 : f32
          %parallel_loop3A_384 = vector.broadcast %parallel_loop3A_383 : f32 to vector<16xf32>
          %parallel_loop3A_385 = arith.select %parallel_loop3A_382, %parallel_loop3A_384, %parallel_loop3A_381 : vector<16xi1>, vector<16xf32>
          %parallel_loop3A_386 = arith.cmpf ogt, %parallel_loop3A_379, %mul3A_110 : vector<16xf32>
          %parallel_loop3A_387 = arith.constant 0.405030727 : f32
          %parallel_loop3A_388 = vector.broadcast %parallel_loop3A_387 : f32 to vector<16xf32>
          %parallel_loop3A_389 = arith.select %parallel_loop3A_386, %parallel_loop3A_388, %parallel_loop3A_385 : vector<16xi1>, vector<16xf32>
          %parallel_loop3A_390 = arith.cmpf ogt, %parallel_loop3A_379, %mul3A_113 : vector<16xf32>
          %parallel_loop3A_391 = arith.constant 0.728892088 : f32
          %parallel_loop3A_392 = vector.broadcast %parallel_loop3A_391 : f32 to vector<16xf32>
          %parallel_loop3A_393 = arith.select %parallel_loop3A_390, %parallel_loop3A_392, %parallel_loop3A_389 : vector<16xi1>, vector<16xf32>
          %parallel_loop3A_394 = arith.cmpf ogt, %parallel_loop3A_379, %mul3A_116 : vector<16xf32>
          %parallel_loop3A_395 = arith.constant 1.11123478 : f32
          %parallel_loop3A_396 = vector.broadcast %parallel_loop3A_395 : f32 to vector<16xf32>
          %parallel_loop3A_397 = arith.select %parallel_loop3A_394, %parallel_loop3A_396, %parallel_loop3A_393 : vector<16xi1>, vector<16xf32>
          %parallel_loop3A_398 = arith.cmpf ogt, %parallel_loop3A_379, %mul3A_119 : vector<16xf32>
          %parallel_loop3A_399 = arith.constant 1.57797647 : f32
          %parallel_loop3A_400 = vector.broadcast %parallel_loop3A_399 : f32 to vector<16xf32>
          %parallel_loop3A_401 = arith.select %parallel_loop3A_398, %parallel_loop3A_400, %parallel_loop3A_397 : vector<16xi1>, vector<16xf32>
          %parallel_loop3A_402 = arith.cmpf ogt, %parallel_loop3A_379, %mul3A_122 : vector<16xf32>
          %parallel_loop3A_403 = arith.constant 2.17732573 : f32
          %parallel_loop3A_404 = vector.broadcast %parallel_loop3A_403 : f32 to vector<16xf32>
          %parallel_loop3A_405 = arith.select %parallel_loop3A_402, %parallel_loop3A_404, %parallel_loop3A_401 : vector<16xi1>, vector<16xf32>
          %parallel_loop3A_406 = arith.cmpf ogt, %parallel_loop3A_379, %mul3A_125 : vector<16xf32>
          %parallel_loop3A_407 = arith.constant 3.01629686 : f32
          %parallel_loop3A_408 = vector.broadcast %parallel_loop3A_407 : f32 to vector<16xf32>
          %parallel_loop3A_409 = arith.select %parallel_loop3A_406, %parallel_loop3A_408, %parallel_loop3A_405 : vector<16xi1>, vector<16xf32>
          %parallel_loop3A_410 = arith.cmpf ogt, %parallel_loop3A_379, %mul3A_128 : vector<16xf32>
          %parallel_loop3A_411 = arith.constant 4.4288063 : f32
          %parallel_loop3A_412 = vector.broadcast %parallel_loop3A_411 : f32 to vector<16xf32>
          %parallel_loop3A_413 = arith.select %parallel_loop3A_410, %parallel_loop3A_412, %parallel_loop3A_409 : vector<16xi1>, vector<16xf32>
          tpu.vector_store_idx %arg5[%add3A_27, %parallel_loop3A_169], %parallel_loop3A_413 : memref<128x128xf32, #tpu.memory_space<vmem>>[vector<16xi32>, vector<16xi32>], vector<16xf32>,
          %parallel_loop3A_414 = arith.mulf %parallel_loop3A_379, %parallel_loop3A_413 : vector<16xf32>
          %parallel_loop3A_415 = arith.addf %parallel_loop3A_259, %parallel_loop3A_414 : vector<16xf32>
          %parallel_loop3A_416 = arith.mulf %parallel_loop3A_413, %parallel_loop3A_413 : vector<16xf32>
          %parallel_loop3A_417 = arith.addf %parallel_loop3A_261, %parallel_loop3A_416 : vector<16xf32>
          %parallel_loop3A_418 = arith.subf %parallel_loop3A_182, %min3A_35 : vector<16xf32>
          %parallel_loop3A_419 = arith.constant -0.124021165 : f32
          %parallel_loop3A_420 = vector.broadcast %parallel_loop3A_419 : f32 to vector<16xf32>
          %parallel_loop3A_421 = arith.cmpf ogt, %parallel_loop3A_418, %mul3A_107 : vector<16xf32>
          %parallel_loop3A_422 = arith.constant 0.124071166 : f32
          %parallel_loop3A_423 = vector.broadcast %parallel_loop3A_422 : f32 to vector<16xf32>
          %parallel_loop3A_424 = arith.select %parallel_loop3A_421, %parallel_loop3A_423, %parallel_loop3A_420 : vector<16xi1>, vector<16xf32>
          %parallel_loop3A_425 = arith.cmpf ogt, %parallel_loop3A_418, %mul3A_110 : vector<16xf32>
          %parallel_loop3A_426 = arith.constant 0.405030727 : f32
          %parallel_loop3A_427 = vector.broadcast %parallel_loop3A_426 : f32 to vector<16xf32>
          %parallel_loop3A_428 = arith.select %parallel_loop3A_425, %parallel_loop3A_427, %parallel_loop3A_424 : vector<16xi1>, vector<16xf32>
          %parallel_loop3A_429 = arith.cmpf ogt, %parallel_loop3A_418, %mul3A_113 : vector<16xf32>
          %parallel_loop3A_430 = arith.constant 0.728892088 : f32
          %parallel_loop3A_431 = vector.broadcast %parallel_loop3A_430 : f32 to vector<16xf32>
          %parallel_loop3A_432 = arith.select %parallel_loop3A_429, %parallel_loop3A_431, %parallel_loop3A_428 : vector<16xi1>, vector<16xf32>
          %parallel_loop3A_433 = arith.cmpf ogt, %parallel_loop3A_418, %mul3A_116 : vector<16xf32>
          %parallel_loop3A_434 = arith.constant 1.11123478 : f32
          %parallel_loop3A_435 = vector.broadcast %parallel_loop3A_434 : f32 to vector<16xf32>
          %parallel_loop3A_436 = arith.select %parallel_loop3A_433, %parallel_loop3A_435, %parallel_loop3A_432 : vector<16xi1>, vector<16xf32>
          %parallel_loop3A_437 = arith.cmpf ogt, %parallel_loop3A_418, %mul3A_119 : vector<16xf32>
          %parallel_loop3A_438 = arith.constant 1.57797647 : f32
          %parallel_loop3A_439 = vector.broadcast %parallel_loop3A_438 : f32 to vector<16xf32>
          %parallel_loop3A_440 = arith.select %parallel_loop3A_437, %parallel_loop3A_439, %parallel_loop3A_436 : vector<16xi1>, vector<16xf32>
          %parallel_loop3A_441 = arith.cmpf ogt, %parallel_loop3A_418, %mul3A_122 : vector<16xf32>
          %parallel_loop3A_442 = arith.constant 2.17732573 : f32
          %parallel_loop3A_443 = vector.broadcast %parallel_loop3A_442 : f32 to vector<16xf32>
          %parallel_loop3A_444 = arith.select %parallel_loop3A_441, %parallel_loop3A_443, %parallel_loop3A_440 : vector<16xi1>, vector<16xf32>
          %parallel_loop3A_445 = arith.cmpf ogt, %parallel_loop3A_418, %mul3A_125 : vector<16xf32>
          %parallel_loop3A_446 = arith.constant 3.01629686 : f32
          %parallel_loop3A_447 = vector.broadcast %parallel_loop3A_446 : f32 to vector<16xf32>
          %parallel_loop3A_448 = arith.select %parallel_loop3A_445, %parallel_loop3A_447, %parallel_loop3A_444 : vector<16xi1>, vector<16xf32>
          %parallel_loop3A_449 = arith.cmpf ogt, %parallel_loop3A_418, %mul3A_128 : vector<16xf32>
          %parallel_loop3A_450 = arith.constant 4.4288063 : f32
          %parallel_loop3A_451 = vector.broadcast %parallel_loop3A_450 : f32 to vector<16xf32>
          %parallel_loop3A_452 = arith.select %parallel_loop3A_449, %parallel_loop3A_451, %parallel_loop3A_448 : vector<16xi1>, vector<16xf32>
          tpu.vector_store_idx %arg5[%add3A_27, %parallel_loop3A_172], %parallel_loop3A_452 : memref<128x128xf32, #tpu.memory_space<vmem>>[vector<16xi32>, vector<16xi32>], vector<16xf32>,
          %parallel_loop3A_453 = arith.mulf %parallel_loop3A_418, %parallel_loop3A_452 : vector<16xf32>
          %parallel_loop3A_454 = arith.addf %parallel_loop3A_298, %parallel_loop3A_453 : vector<16xf32>
          %parallel_loop3A_455 = arith.mulf %parallel_loop3A_452, %parallel_loop3A_452 : vector<16xf32>
          %parallel_loop3A_456 = arith.addf %parallel_loop3A_300, %parallel_loop3A_455 : vector<16xf32>
          %parallel_loop3A_457 = arith.subf %parallel_loop3A_183, %min3A_35 : vector<16xf32>
          %parallel_loop3A_458 = arith.constant -0.124021165 : f32
          %parallel_loop3A_459 = vector.broadcast %parallel_loop3A_458 : f32 to vector<16xf32>
          %parallel_loop3A_460 = arith.cmpf ogt, %parallel_loop3A_457, %mul3A_107 : vector<16xf32>
          %parallel_loop3A_461 = arith.constant 0.124071166 : f32
          %parallel_loop3A_462 = vector.broadcast %parallel_loop3A_461 : f32 to vector<16xf32>
          %parallel_loop3A_463 = arith.select %parallel_loop3A_460, %parallel_loop3A_462, %parallel_loop3A_459 : vector<16xi1>, vector<16xf32>
          %parallel_loop3A_464 = arith.cmpf ogt, %parallel_loop3A_457, %mul3A_110 : vector<16xf32>
          %parallel_loop3A_465 = arith.constant 0.405030727 : f32
          %parallel_loop3A_466 = vector.broadcast %parallel_loop3A_465 : f32 to vector<16xf32>
          %parallel_loop3A_467 = arith.select %parallel_loop3A_464, %parallel_loop3A_466, %parallel_loop3A_463 : vector<16xi1>, vector<16xf32>
          %parallel_loop3A_468 = arith.cmpf ogt, %parallel_loop3A_457, %mul3A_113 : vector<16xf32>
          %parallel_loop3A_469 = arith.constant 0.728892088 : f32
          %parallel_loop3A_470 = vector.broadcast %parallel_loop3A_469 : f32 to vector<16xf32>
          %parallel_loop3A_471 = arith.select %parallel_loop3A_468, %parallel_loop3A_470, %parallel_loop3A_467 : vector<16xi1>, vector<16xf32>
          %parallel_loop3A_472 = arith.cmpf ogt, %parallel_loop3A_457, %mul3A_116 : vector<16xf32>
          %parallel_loop3A_473 = arith.constant 1.11123478 : f32
          %parallel_loop3A_474 = vector.broadcast %parallel_loop3A_473 : f32 to vector<16xf32>
          %parallel_loop3A_475 = arith.select %parallel_loop3A_472, %parallel_loop3A_474, %parallel_loop3A_471 : vector<16xi1>, vector<16xf32>
          %parallel_loop3A_476 = arith.cmpf ogt, %parallel_loop3A_457, %mul3A_119 : vector<16xf32>
          %parallel_loop3A_477 = arith.constant 1.57797647 : f32
          %parallel_loop3A_478 = vector.broadcast %parallel_loop3A_477 : f32 to vector<16xf32>
          %parallel_loop3A_479 = arith.select %parallel_loop3A_476, %parallel_loop3A_478, %parallel_loop3A_475 : vector<16xi1>, vector<16xf32>
          %parallel_loop3A_480 = arith.cmpf ogt, %parallel_loop3A_457, %mul3A_122 : vector<16xf32>
          %parallel_loop3A_481 = arith.constant 2.17732573 : f32
          %parallel_loop3A_482 = vector.broadcast %parallel_loop3A_481 : f32 to vector<16xf32>
          %parallel_loop3A_483 = arith.select %parallel_loop3A_480, %parallel_loop3A_482, %parallel_loop3A_479 : vector<16xi1>, vector<16xf32>
          %parallel_loop3A_484 = arith.cmpf ogt, %parallel_loop3A_457, %mul3A_125 : vector<16xf32>
          %parallel_loop3A_485 = arith.constant 3.01629686 : f32
          %parallel_loop3A_486 = vector.broadcast %parallel_loop3A_485 : f32 to vector<16xf32>
          %parallel_loop3A_487 = arith.select %parallel_loop3A_484, %parallel_loop3A_486, %parallel_loop3A_483 : vector<16xi1>, vector<16xf32>
          %parallel_loop3A_488 = arith.cmpf ogt, %parallel_loop3A_457, %mul3A_128 : vector<16xf32>
          %parallel_loop3A_489 = arith.constant 4.4288063 : f32
          %parallel_loop3A_490 = vector.broadcast %parallel_loop3A_489 : f32 to vector<16xf32>
          %parallel_loop3A_491 = arith.select %parallel_loop3A_488, %parallel_loop3A_490, %parallel_loop3A_487 : vector<16xi1>, vector<16xf32>
          tpu.vector_store_idx %arg5[%add3A_27, %parallel_loop3A_175], %parallel_loop3A_491 : memref<128x128xf32, #tpu.memory_space<vmem>>[vector<16xi32>, vector<16xi32>], vector<16xf32>,
          %parallel_loop3A_492 = arith.mulf %parallel_loop3A_457, %parallel_loop3A_491 : vector<16xf32>
          %parallel_loop3A_493 = arith.addf %parallel_loop3A_337, %parallel_loop3A_492 : vector<16xf32>
          %parallel_loop3A_494 = arith.mulf %parallel_loop3A_491, %parallel_loop3A_491 : vector<16xf32>
          %parallel_loop3A_495 = arith.addf %parallel_loop3A_339, %parallel_loop3A_494 : vector<16xf32>
          scf.yield %parallel_loop3A_376, %parallel_loop3A_415, %parallel_loop3A_454, %parallel_loop3A_493, %parallel_loop3A_378, %parallel_loop3A_417, %parallel_loop3A_456, %parallel_loop3A_495 : vector<16xf32>, vector<16xf32>, vector<16xf32>, vector<16xf32>, vector<16xf32>, vector<16xf32>, vector<16xf32>, vector<16xf32>
        } {sc.loop_unroll_factor = 1 : i64, sc.parallel_access}
        %add3A_133 = arith.addf %parallel_loop3A_132#0, %parallel_loop3A_132#1 : vector<16xf32>
        %add3A_134 = arith.addf %parallel_loop3A_132#2, %parallel_loop3A_132#3 : vector<16xf32>
        %add3A_135 = arith.addf %add3A_133, %add3A_134 : vector<16xf32>
        %add3A_136 = arith.addf %parallel_loop3A_132#4, %parallel_loop3A_132#5 : vector<16xf32>
        %add3A_137 = arith.addf %parallel_loop3A_132#6, %parallel_loop3A_132#7 : vector<16xf32>
        %add3A_138 = arith.addf %add3A_136, %add3A_137 : vector<16xf32>
        %div3A = arith.divf %add3A_135, %add3A_138 : vector<16xf32>
        %parallel_loop3A_139 = arith.constant 0 : i32
        %parallel_loop3A_140 = arith.constant 128 : i32
        %parallel_loop3A_141 = arith.constant 8 : i32
        scf.for %parallel_loop3A_143 = %parallel_loop3A_139 to %parallel_loop3A_140 step %parallel_loop3A_141  : i32 {
          %parallel_loop3A_144 = arith.constant 0 : i32
          %parallel_loop3A_145 = arith.addi %parallel_loop3A_143, %parallel_loop3A_144 : i32
          %parallel_loop3A_146 = vector.broadcast %parallel_loop3A_145 : i32 to vector<16xi32>
          %parallel_loop3A_147 = tpu.vector_load_idx %arg5[%add3A_27, %parallel_loop3A_146] : memref<128x128xf32, #tpu.memory_space<vmem>>[vector<16xi32>, vector<16xi32>], vector<16xf32>,
          %parallel_loop3A_148 = arith.mulf %parallel_loop3A_147, %div3A : vector<16xf32>
          %parallel_loop3A_149 = arith.addf %parallel_loop3A_148, %min3A_35 : vector<16xf32>
          tpu.vector_store_idx %arg5[%add3A_27, %parallel_loop3A_146], %parallel_loop3A_149 : memref<128x128xf32, #tpu.memory_space<vmem>>[vector<16xi32>, vector<16xi32>], vector<16xf32>,
          %parallel_loop3A_150 = arith.constant 1 : i32
          %parallel_loop3A_151 = arith.addi %parallel_loop3A_143, %parallel_loop3A_150 : i32
          %parallel_loop3A_152 = vector.broadcast %parallel_loop3A_151 : i32 to vector<16xi32>
          %parallel_loop3A_153 = tpu.vector_load_idx %arg5[%add3A_27, %parallel_loop3A_152] : memref<128x128xf32, #tpu.memory_space<vmem>>[vector<16xi32>, vector<16xi32>], vector<16xf32>,
          %parallel_loop3A_154 = arith.mulf %parallel_loop3A_153, %div3A : vector<16xf32>
          %parallel_loop3A_155 = arith.addf %parallel_loop3A_154, %min3A_35 : vector<16xf32>
          tpu.vector_store_idx %arg5[%add3A_27, %parallel_loop3A_152], %parallel_loop3A_155 : memref<128x128xf32, #tpu.memory_space<vmem>>[vector<16xi32>, vector<16xi32>], vector<16xf32>,
          %parallel_loop3A_156 = arith.constant 2 : i32
          %parallel_loop3A_157 = arith.addi %parallel_loop3A_143, %parallel_loop3A_156 : i32
          %parallel_loop3A_158 = vector.broadcast %parallel_loop3A_157 : i32 to vector<16xi32>
          %parallel_loop3A_159 = tpu.vector_load_idx %arg5[%add3A_27, %parallel_loop3A_158] : memref<128x128xf32, #tpu.memory_space<vmem>>[vector<16xi32>, vector<16xi32>], vector<16xf32>,
          %parallel_loop3A_160 = arith.mulf %parallel_loop3A_159, %div3A : vector<16xf32>
          %parallel_loop3A_161 = arith.addf %parallel_loop3A_160, %min3A_35 : vector<16xf32>
          tpu.vector_store_idx %arg5[%add3A_27, %parallel_loop3A_158], %parallel_loop3A_161 : memref<128x128xf32, #tpu.memory_space<vmem>>[vector<16xi32>, vector<16xi32>], vector<16xf32>,
          %parallel_loop3A_162 = arith.constant 3 : i32
          %parallel_loop3A_163 = arith.addi %parallel_loop3A_143, %parallel_loop3A_162 : i32
          %parallel_loop3A_164 = vector.broadcast %parallel_loop3A_163 : i32 to vector<16xi32>
          %parallel_loop3A_165 = tpu.vector_load_idx %arg5[%add3A_27, %parallel_loop3A_164] : memref<128x128xf32, #tpu.memory_space<vmem>>[vector<16xi32>, vector<16xi32>], vector<16xf32>,
          %parallel_loop3A_166 = arith.mulf %parallel_loop3A_165, %div3A : vector<16xf32>
          %parallel_loop3A_167 = arith.addf %parallel_loop3A_166, %min3A_35 : vector<16xf32>
          tpu.vector_store_idx %arg5[%add3A_27, %parallel_loop3A_164], %parallel_loop3A_167 : memref<128x128xf32, #tpu.memory_space<vmem>>[vector<16xi32>, vector<16xi32>], vector<16xf32>,
          %parallel_loop3A_168 = arith.constant 4 : i32
          %parallel_loop3A_169 = arith.addi %parallel_loop3A_143, %parallel_loop3A_168 : i32
          %parallel_loop3A_170 = vector.broadcast %parallel_loop3A_169 : i32 to vector<16xi32>
          %parallel_loop3A_171 = tpu.vector_load_idx %arg5[%add3A_27, %parallel_loop3A_170] : memref<128x128xf32, #tpu.memory_space<vmem>>[vector<16xi32>, vector<16xi32>], vector<16xf32>,
          %parallel_loop3A_172 = arith.mulf %parallel_loop3A_171, %div3A : vector<16xf32>
          %parallel_loop3A_173 = arith.addf %parallel_loop3A_172, %min3A_35 : vector<16xf32>
          tpu.vector_store_idx %arg5[%add3A_27, %parallel_loop3A_170], %parallel_loop3A_173 : memref<128x128xf32, #tpu.memory_space<vmem>>[vector<16xi32>, vector<16xi32>], vector<16xf32>,
          %parallel_loop3A_174 = arith.constant 5 : i32
          %parallel_loop3A_175 = arith.addi %parallel_loop3A_143, %parallel_loop3A_174 : i32
          %parallel_loop3A_176 = vector.broadcast %parallel_loop3A_175 : i32 to vector<16xi32>
          %parallel_loop3A_177 = tpu.vector_load_idx %arg5[%add3A_27, %parallel_loop3A_176] : memref<128x128xf32, #tpu.memory_space<vmem>>[vector<16xi32>, vector<16xi32>], vector<16xf32>,
          %parallel_loop3A_178 = arith.mulf %parallel_loop3A_177, %div3A : vector<16xf32>
          %parallel_loop3A_179 = arith.addf %parallel_loop3A_178, %min3A_35 : vector<16xf32>
          tpu.vector_store_idx %arg5[%add3A_27, %parallel_loop3A_176], %parallel_loop3A_179 : memref<128x128xf32, #tpu.memory_space<vmem>>[vector<16xi32>, vector<16xi32>], vector<16xf32>,
          %parallel_loop3A_180 = arith.constant 6 : i32
          %parallel_loop3A_181 = arith.addi %parallel_loop3A_143, %parallel_loop3A_180 : i32
          %parallel_loop3A_182 = vector.broadcast %parallel_loop3A_181 : i32 to vector<16xi32>
          %parallel_loop3A_183 = tpu.vector_load_idx %arg5[%add3A_27, %parallel_loop3A_182] : memref<128x128xf32, #tpu.memory_space<vmem>>[vector<16xi32>, vector<16xi32>], vector<16xf32>,
          %parallel_loop3A_184 = arith.mulf %parallel_loop3A_183, %div3A : vector<16xf32>
          %parallel_loop3A_185 = arith.addf %parallel_loop3A_184, %min3A_35 : vector<16xf32>
          tpu.vector_store_idx %arg5[%add3A_27, %parallel_loop3A_182], %parallel_loop3A_185 : memref<128x128xf32, #tpu.memory_space<vmem>>[vector<16xi32>, vector<16xi32>], vector<16xf32>,
          %parallel_loop3A_186 = arith.constant 7 : i32
          %parallel_loop3A_187 = arith.addi %parallel_loop3A_143, %parallel_loop3A_186 : i32
          %parallel_loop3A_188 = vector.broadcast %parallel_loop3A_187 : i32 to vector<16xi32>
          %parallel_loop3A_189 = tpu.vector_load_idx %arg5[%add3A_27, %parallel_loop3A_188] : memref<128x128xf32, #tpu.memory_space<vmem>>[vector<16xi32>, vector<16xi32>], vector<16xf32>,
          %parallel_loop3A_190 = arith.mulf %parallel_loop3A_189, %div3A : vector<16xf32>
          %parallel_loop3A_191 = arith.addf %parallel_loop3A_190, %min3A_35 : vector<16xf32>
          tpu.vector_store_idx %arg5[%add3A_27, %parallel_loop3A_188], %parallel_loop3A_191 : memref<128x128xf32, #tpu.memory_space<vmem>>[vector<16xi32>, vector<16xi32>], vector<16xf32>,
        } {sc.loop_unroll_factor = 1 : i64, sc.parallel_access}
        %scan3A_142 = arith.constant 0 : i32
        scf.yield %scan3A_142 : i32
      }
      %scan3A_20 = arith.constant 8 : i32
      "tpu.region"() ({
        %run_scoped3A = tpu.sem_alloc : memref<!tpu.dma_semaphore, #tpu.memory_space<semaphore_mem>>
        %dma_start3A = arith.constant 0 : i32
        %dma_start3A_22 = tpu.memref_slice %arg3[%mul3A_13, %dma_start3A] : memref<131072x128xf32, #tpu.memory_space<hbm>> -> memref<128x128xf32, #tpu.memory_space<hbm>>
        %dma_start3A_23 = arith.constant 0 : i32
        %dma_start3A_24 = tpu.memref_slice %arg3[%mul3A_13, %dma_start3A_23] : memref<131072x128xf32, #tpu.memory_space<hbm>> -> memref<128x128xf32, #tpu.memory_space<hbm>>
        tpu.enqueue_dma source(%arg5 : memref<128x128xf32, #tpu.memory_space<vmem>>) target(%dma_start3A_24 : memref<128x128xf32, #tpu.memory_space<hbm>>) target_semaphore(%run_scoped3A : memref<!tpu.dma_semaphore, #tpu.memory_space<semaphore_mem>>)
        %dma_wait3A = arith.constant 0 : i32
        %dma_wait3A_25 = tpu.memref_slice %arg3[%mul3A_13, %dma_wait3A] : memref<131072x128xf32, #tpu.memory_space<hbm>> -> memref<128x128xf32, #tpu.memory_space<hbm>>
        %dma_wait3A_26 = arith.constant 0 : i32
        %dma_wait3A_27 = tpu.memref_slice %arg3[%mul3A_13, %dma_wait3A_26] : memref<131072x128xf32, #tpu.memory_space<hbm>> -> memref<128x128xf32, #tpu.memory_space<hbm>>
        tpu.wait_dma2 semaphore(%run_scoped3A : memref<!tpu.dma_semaphore, #tpu.memory_space<semaphore_mem>>) src(%arg5 : memref<128x128xf32, #tpu.memory_space<vmem>>) dst(%dma_wait3A_27 : memref<128x128xf32, #tpu.memory_space<hbm>>)
        tpu.yield
      }) : () -> ()
      %scan3A_21 = arith.constant 0 : i32
      scf.yield %scan3A_21 : i32
    }
    %scan3A_6 = arith.constant 32 : i32
    return
  }
}

</mosaic_0001>

<sc_bundles>
// kernel: kernel.3.cloned.1.call-start
scs
__scs_entry_jumppad:
0x0: {  	(pc) =	sbr.rel $0x88, $3  }
0x1: {  	(tag) =	ssettag $0x0;
	lr =	simm.s32 $0x1  }
0x2: {  	[smem:$0x3FA0] =	sst lr;
	_ =	strace $0xD0000000  }
0x3: {  	_ = 	snop  }
0x4: {  	_ = 	snop  }
0x5: {  	_ = 	snop  }
0x6: {  	_ = 	snop  }
0x7: {  	_ = 	snop  }
__scs_overlays_trampoline_lowered:
0x8: {  	[smem:$0x3FAF] =	sst s0  }
0x9: {  	[smem:$0x3FB0] =	sst s1  }
0xa: {  	[smem:$0x3FB1] =	sst s2  }
0xb: {  	[smem:$0x3FB2] =	sst s3  }
0xc: {  	[smem:$0x3FB3] =	sst s4  }
0xd: {  	[smem:$0x3FB4] =	sst s5  }
0xe: {  	[smem:$0x3FB5] =	sst s6  }
0xf: {  	[smem:$0x3FB6] =	sst s7  }
0x10: {  	[smem:$0x3FB7] =	sst s8  }
0x11: {  	[smem:$0x3FB8] =	sst s9;
	s0 =	simm.s32 @!p0 $0x0  }
0x12: {  	s1 =	sld [smem:$0x3F9E];
	s0 =	simm.s32 @p0 $0x1  }
0x13: {  	[smem:$0x3FB9] =	sst s0;
	s0 =	simm.s32 @!p1 $0x0  }
0x14: {  	s2 =	sld [smem:$0x3F9D];
	s0 =	simm.s32 @p1 $0x1  }
0x15: {  	[smem:$0x3FBA] =	sst s0;
	s0 =	simm.s32 @!p2 $0x0  }
0x16: {  	s3 =	sld [smem:$0x3FDB];
	s0 =	simm.s32 @p2 $0x1  }
0x17: {  	s4 =	simm.s32 $0x1BF5;
	[smem:$0x3FBC] =	sst s0  }
0x18: {  	s0 =	sld [smem:$0x3F9F];
	_ =	swait.ge [sflag:s4], $0x0  }
0x19: {  	s7 =	sld [smem:$0x3FA0]  }
0x1a: {  	s8 =	sadd.s32 $0xFFFFE003, lr  }
0x1b: {  	s9 =	sadd.s32 $0xFFFFFEF7, lr;
	s5 =	simm.s32 $0xFFFFFFFF;
	p2 =	slt.u32 s8, $0xFFFFF086  }
0x1c: {  	p1 =	slt.u32 s9, $0xF7A;
	s5 =	simm.s32 @!p2 $0x0  }
0x1d: {  	s5 =	simm.s32 @p1 $0x1;
	p0 =	seq.s32 s7, s2  }
0x1e: {  	s7 =	smul.u32 @!p0 $0xF7A, s2;
	p2 =	seq.s32 @!p0 s5, $0x0  }
0x1f: {  	s9 =	smul.u32 $0xF7A, s1;
	s8 =	simm.s32 @!p0 $0x1BF5;
	p2 =	por !p2, p0  }
0x20: {  	[sflag:s8] =	ssyncset.s32 @!p0 $0xFFFFF086;
	s6 =	sadd.s32 @!p0 s3, s7;
	s7 =	simm.s32 @!p0 $0x108  }
0x21: {  	s3 =	sadd.s32 s3, s9;
	s6 =	sadd.s32 @!p0 $0x88, s6;
	s7 =	simm.s32 @p2 $0x1082  }
0x22: {  	[simem:s7], [sflag:s8] =	dma.local @!p0 [hbm:s6], $0xF7A  }
0x23: {  	s9 =	sor.u32 $0xD0000000, s2;
	s6 =	simm.s32 $0x108;
	_ =	swait.ge @!p0 [sflag:s8], $0x0  }
0x24: {  	s3 =	sadd.s32 $0x88, s3;
	s6 =	simm.s32 @!p1 $0x1082;
	[sflag:s4] =	ssyncset.s32 $0xFFFFF086  }
0x25: {  	[simem:s6], [sflag:s4] =	dma.local [hbm:s3], $0xF7A  }
0x26: {  	[smem:$0x3FA0] =	sst s1;
	(tag) =	ssettag s2;
	_ =	strace s9  }
0x27: {  	s1 =	sld [smem:$0x3FB0]  }
0x28: {  	s2 =	sld [smem:$0x3FB1]  }
0x29: {  	s4 =	sld [smem:$0x3FB3]  }
0x2a: {  	p0 =	seq.s32 s5, $0x0;
	s5 =	sld [smem:$0x3FB4]  }
0x2b: {  	s6 =	sld [smem:$0x3FB5]  }
0x2c: {  	s7 =	sld [smem:$0x3FB6]  }
0x2d: {  	s3 =	simm.s32 $0x108;
	s8 =	sld [smem:$0x3FB7]  }
0x2e: {  	s3 =	simm.s32 @!p0 $0x1082;
	s9 =	sld [smem:$0x3FB8]  }
0x2f: {  	lr =	sadd.s32 s0, s3;
	s0 =	sld [smem:$0x3FAF]  }
0x30: {  	s3 =	sld [smem:$0x3FB2]  }
0x31: {  	[smem:$0x3FBB] =	sst s10  }
0x32: {  	s10 =	sld [smem:$0x3FB9];
	_ =	sdelay $0x3  }
0x33: {  	p0 =	seq.s32 s10, $0x1;
	s10 =	sld [smem:$0x3FBB];
	_ =	sdelay $0x3  }
0x34: {  	[smem:$0x3FBB] =	sst s10  }
0x35: {  	s10 =	sld [smem:$0x3FBA];
	_ =	sdelay $0x3  }
0x36: {  	p1 =	seq.s32 s10, $0x1;
	s10 =	sld [smem:$0x3FBB];
	_ =	sdelay $0x3  }
0x37: {  	[smem:$0x3FBB] =	sst s10  }
0x38: {  	s10 =	sld [smem:$0x3FBC]  }
0x39: {  	_ = 	snop;
	(pc) =	sbr.ind lr, $3  }
0x3a: {  	_ = 	snop  }
0x3b: {  	_ = 	snop  }
0x3c: {  	p2 =	seq.s32 s10, $0x1;
	s10 =	sld [smem:$0x3FBB]  }
0x3d: {  	_ =	shalt  }
0x3e: {  	_ =	shalt  }
0x3f: {  	_ =	shalt  }
0x40: {  	_ =	shalt  }
0x41: {  	_ =	shalt  }
0x42: {  	_ =	shalt  }
0x43: {  	_ =	shalt  }
0x44: {  	_ =	shalt  }
0x45: {  	_ =	shalt  }
0x46: {  	_ =	shalt  }
0x47: {  	_ =	shalt  }
0x48: {  	_ =	shalt  }
0x49: {  	_ =	shalt  }
0x4a: {  	_ =	shalt  }
0x4b: {  	_ =	shalt  }
0x4c: {  	_ =	shalt  }
0x4d: {  	_ =	shalt  }
0x4e: {  	_ =	shalt  }
0x4f: {  	_ =	shalt  }
0x50: {  	_ =	shalt  }
0x51: {  	_ =	shalt  }
0x52: {  	_ =	shalt  }
0x53: {  	_ =	shalt  }
0x54: {  	_ =	shalt  }
0x55: {  	_ =	shalt  }
0x56: {  	_ =	shalt  }
0x57: {  	_ =	shalt  }
0x58: {  	_ =	shalt  }
0x59: {  	_ =	shalt  }
0x5a: {  	_ =	shalt  }
0x5b: {  	_ =	shalt  }
0x5c: {  	_ =	shalt  }
0x5d: {  	_ =	shalt  }
0x5e: {  	_ =	shalt  }
0x5f: {  	_ =	shalt  }
0x60: {  	_ =	shalt  }
0x61: {  	_ =	shalt  }
0x62: {  	_ =	shalt  }
0x63: {  	_ =	shalt  }
0x64: {  	_ =	shalt  }
0x65: {  	_ =	shalt  }
0x66: {  	_ =	shalt  }
0x67: {  	_ =	shalt  }
0x68: {  	_ =	shalt  }
0x69: {  	_ =	shalt  }
0x6a: {  	_ =	shalt  }
0x6b: {  	_ =	shalt  }
0x6c: {  	_ =	shalt  }
0x6d: {  	_ =	shalt  }
0x6e: {  	_ =	shalt  }
0x6f: {  	_ =	shalt  }
0x70: {  	_ =	shalt  }
0x71: {  	_ =	shalt  }
0x72: {  	_ =	shalt  }
0x73: {  	_ =	shalt  }
0x74: {  	_ =	shalt  }
0x75: {  	_ =	shalt  }
0x76: {  	_ =	shalt  }
0x77: {  	_ =	shalt  }
0x78: {  	_ =	shalt  }
0x79: {  	_ =	shalt  }
0x7a: {  	_ =	shalt  }
0x7b: {  	_ =	shalt  }
0x7c: {  	_ =	shalt  }
0x7d: {  	_ =	shalt  }
0x7e: {  	_ =	shalt  }
0x7f: {  	_ =	shalt  }
0x80: {  	_ =	shalt  }
0x81: {  	_ =	shalt  }
0x82: {  	_ =	shalt  }
0x83: {  	_ =	shalt  }
0x84: {  	_ =	shalt  }
0x85: {  	_ =	shalt  }
0x86: {  	_ =	shalt  }
0x87: {  	_ =	shalt  }
.Lfunc_end0:
.L_simem_size_0:
called_computation_lowered:
.L_overlay_start_0:
0x88: {  	s2 =	sld [smem:$0x3FD9]  }
0x89: {  	s3 =	sld [smem:$0x3FFE];
	_ =	sdelay $0x1  }
0x8a: {  	s1 =	srdreg.scid  }
0x8b: {  	s0 =	sand.u32 $0x1, s1  }
0x8c: {  	s18 =	sshll.u32 s0, $0xA;
	s2 =	sadd.s32 s3, s2  }
0x8d: {  	s2 =	sadd.s32 s2, s18  }
0x8e: {  	[smem:$0x3FC7] =	sst s2  }
0x8f: {  	_ = 	snop  }
0x90: {  	s2 =	sld [smem:$0x3FC9]  }
0x91: {  	s19 =	sld [smem:$0x3FD0];
	(tm) =	ssettm $0x1  }
0x92: {  	s4 =	sld [smem:$0x3FFB];
	_ =	sdelay $0x3  }
0x93: {  	_ =	strace s4  }
0x94: {  	s4 =	sld [smem:$0x3FFC];
	_ =	sdelay $0x3  }
0x95: {  	_ =	strace s4  }
0x96: {  	s4 =	sld [smem:$0x3FFD];
	_ =	sdelay $0x3  }
0x97: {  	_ =	strace s4  }
0x98: {  	_ =	strace $0x8FFFFFFF  }
0x99: {  	s20 =	sld [smem:$0x3FDB];
	_ =	sdelay $0x1  }
0x9a: {  	s5 =	simm.s32 $_scs_section_size  }
0x9b: {  	s6 =	simm.s32 $_size__tile_overlayer_lowered;
	s7 =	simm.s32 $_tile_overlayer_lowered  }
0x9c: {  	s23 =	simm.s32 $0x1BFF;
	s22 =	sshll.u32 s7, $0x1;
	s4 =	sadd.s32 s5, s20  }
0x9d: {  	s8 =	simm.s32 $0x0;
	s21 =	sshll.u32 s6, $0x1;
	s6 =	sadd.s32 s22, s4  }
0x9e: {  	[timem:s8], [sflag:s23] =	dma.local [hbm:s6], s21  }
0x9f: {  	_ =	swait.ge [sflag:s23], s21  }
0xa0: {  	s5 =	ssub.s32 $0x0, s21;
	[sflag:s23] =	ssyncset.done $0x0  }
0xa1: {  	[sflag:s23] =	ssyncadd.s32 s5;
	_ =	sdelay $0x1  }
0xa2: {  	s24 =	simm.s32 $0x1B8B  }
0xa3: {  	_ =	swait.ge [sflag:s24], $0x1  }
0xa4: {  	[sflag:s24] =	ssyncset.done $0x0  }
0xa5: {  	s25 =	simm.s32 $0x1B8E;
	[sflag:s24] =	ssyncadd.s32 $0xFFFFFFFF  }
0xa6: {  	s26 =	simm.s32 $execute0_lowered;
	[smem:$0x3FD2] =	sst s25  }
0xa7: {  	s5 =	sshll.u32 s26, $0x1;
	_ =	strace $0x80000046;
	[dreg:$0x1] =	wrdreg $0xFFFFFFFF  }
0xa8: {  	s28 =	simm.s32 $_size_execute0_lowered;
	s4 =	sadd.s32 s4, s5;
	[dreg:$0x0] =	wrdreg $0x0  }
0xa9: {  	s5 =	sshll.u32 s28, $0x1;
	[dreg:$0x2] =	wrdreg s4  }
0xaa: {  	[dreg:$0x3] =	wrdreg s5  }
0xab: {  	[dreg:$0x4] =	wrdreg $0xC0  }
0xac: {  	_ =	task [dreg:s8], $0x5FFFF  }
0xad: {  	[dreg:$0x1] =	wrdreg $0xFFFFFFFF  }
0xae: {  	[dreg:$0x0] =	wrdreg $0x60  }
0xaf: {  	[dreg:$0x2] =	wrdreg s2  }
0xb0: {  	[dreg:$0x3] =	wrdreg s19  }
0xb1: {  	[dreg:$0x4] =	wrdreg $0x9  }
0xb2: {  	_ =	task.clear_ibuf [dreg:s8], $0x5FFFF;
	_ =	strace $0x90000046  }
0xb3: {  	s29 =	simm.s32 $0x9;
	_ =	strace $0x80000048  }
0xb4: {  	_ =	swait.ge [sflag:s29], $0x1  }
0xb5: {  	[sflag:s29] =	ssyncadd.s32 $0xFFFFFFFF  }
0xb6: {  	_ =	strace $0x90000048  }
0xb7: {  	_ =	sfence  }
0xb8: {  	s30 =	sld [smem:$0x0];
	_ =	sdelay $0x2  }
0xb9: {  	s31 =	sshll.u32 s1, $0xD;
	s1 =	sshrl.u32 s1, $0x2  }
0xba: {  	s3 =	sand.u32 $0x4000, s31;
	s1 =	sadd.s32 s1, s30  }
0xbb: {  	s0 =	sor.u32 s3, s0;
	s1 =	sshll.u32 s1, $0x11  }
0xbc: {  	s0 =	sor.u32 s1, s0  }
0xbd: {  	s0 =	sadd.s32 $0x8F2B, s0  }
0xbe: {  	[sflag:s0] =	ssyncadd.remote.s32 $0x1  }
0xbf: {  	_ =	sfence.sel $0xFFFF  }
0xc0: {  	[dreg:$0x0] =	wrdreg $0xFFFFFFFF;
	(pc) =	sbr.abs _section_cstart, $3  }
0xc1: {  	[dreg:$0x1] =	wrdreg $0xFFFFFFFF  }
0xc2: {  	_ =	task.clear_ibuf [dreg:s8], $0x2FFFF;
	_ =	strace $0x9FFFFFFF  }
0xc3: {  	(tm) =	ssettm $0x7FFFFFFF  }
tec
execute0_lowered:
.L_overlay_start_1:
0x0: {  	(tag) =	ssettag $0x1  }
0x1: {  	s1 =	rddreg [dreg:$0x0];
	s0 =	srdreg.scid  }
0x2: {  	s2 =	rddreg [dreg:$0x1];
	s4 =	simm.s32 $0x0;
	s3 =	stileid.u32  }
0x3: {  	s8 =	simm.s32 $0x4000;
	s9 =	simm.s32 $0x0;
	s5 =	sand.u32 $0x1, s0  }
0x4: {  	s12 =	simm.s32 $0x0;
	s0 =	rddreg [dreg:$0x2];
	s6 =	ssub.s32 $0x2, s5  }
0x5: {  	[smem:$0x7FF] =	sst s4;
	s31 =	sshll.u32 s3, $0x6;
	s7 =	sshrl.u32 s6, $0x1  }
0x6: {  	v0 =	vlaneseq.u32;
	s5 =	sshll.u32 s5, $0x5;
	_ =	strace $0x80000047;
	s6 =	ssub.s32 s6, s7  }
0x7: {  	v1 =	vimm.f32 $-1.240211650e-01;
	v0 =	vmul.u32 $0x80, v0;
	s5 =	sor.u32 s5, s31;
	s7 =	simm.s32 $0x1;
	s6 =	smax.u32 s6, $0x1  }
.LBB2_1:
0x8: {  	s10 =	simm.s32 $0x0  }
.LBB2_2:
0x9: {  	s11 =	sadd.s32 s5, s10  }
0xa: {  	s11 =	sshll.u32 s11, $0xB  }
0xb: {  	s13 =	sadd.s32 s1, s11  }
0xc: {  	[tilespmem:s12], [sflag:$0x1] =	stream.linear.gather [hbm4b:s13+s12], $0x4000, $0x38;
	[tilespmem:$0x8000] =	vst v63  }
0xd: {  	_ =	swait.ge [sflag:s7], $0x4000  }
0xe: {  	[sflag:s7] =	ssyncset.done $0x0  }
0xf: {  	s13 =	simm.s32 $0x0;
	[sflag:s7] =	ssyncadd.s32 $0xFFFFC000  }
.LBB2_3:
0x10: {  	s14 =	sshll.u32 s13, $0x4;
	s15 =	simm.s32 $0x1;
	v2 =	vmov s12  }
0x11: {  	v3 =	vmov s14;
	v4 =	vmov s15;
	v2 =	vand.u32 $0x78, v2  }
0x12: {  	s25 =	simm.s32 $0x2;
	v3 =	vshll.u32 v3, $0x7;
	v4 =	vand.u32 $0x79, v4;
	v5 =	vbroadcast v2, $0x0  }
0x13: {  	s26 =	simm.s32 $0x7;
	v2 =	vor.u32 v0, v3;
	v3 =	vmov s25;
	v4 =	vbroadcast v4, $0x0  }
0x14: {  	v6 =	vmov s26;
	v3 =	vand.u32 $0x7A, v3;
	v5 =	vor.u32 v2, v5  }
0x15: {  	v6 =	vand.u32 $0x7F, v6;
	v4 =	vor.u32 v2, v4;
	v3 =	vbroadcast v3, $0x0  }
0x16: {  	s29 =	simm.s32 $0x5;
	v6 =	vbroadcast v6, $0x0  }
0x17: {  	s28 =	simm.s32 $0x6;
	v9 =	vmov s29;
	v3 =	vor.u32 v2, v3  }
0x18: {  	v8 =	vmov s28;
	v9 =	vand.u32 $0x7D, v9;
	v6 =	vor.u32 v2, v6  }
0x19: {  	v7 =	vimm.f32 $+Inf;
	s30 =	simm.s32 $0x3;
	v8 =	vand.u32 $0x7E, v8;
	v9 =	vbroadcast v9, $0x0;
	v5 =	vld.idx.msk [tilespmem:v5+s4+$0x0], $0xffff  }
0x1a: {  	v17 =	vimm.f32 $0.0e+00;
	v10 =	vmov s30;
	v11 =	vld.idx.msk [tilespmem:v4+s4+$0x0], $0xffff;
	v4 =	vbroadcast v8, $0x0  }
0x1b: {  	s31 =	simm.s32 $0x4;
	v19 =	vimm.f32 $0.0e+00;
	v23 =	vor.u32 v2, v9;
	v8 =	vand.u32 $0x7B, v10  }
0x1c: {  	v10 =	vmov s31;
	v8 =	vbroadcast v8, $0x0;
	v4 =	vor.u32 v2, v4;
	v16 =	vld.idx.msk [tilespmem:v3+s4+$0x0], $0xffff  }
0x1d: {  	v14 =	vld.idx.msk [tilespmem:v6+s4+$0x0], $0xffff;
	v6 =	vimm.f32 $+Inf;
	v3 =	vand.u32 $0x7C, v10;
	v10 =	vimm.f32 $0.0e+00  }
0x1e: {  	v15 =	vor.u32 v2, v8;
	v3 =	vbroadcast v3, $0x0;
	v8 =	vmul.f32 v5, v5  }
0x1f: {  	v12 =	vadd.f32 v5, v17;
	v9 =	vmin.f32 v7, v5;
	v20 =	vmul.f32 v11, v11  }
0x20: {  	v13 =	vadd.f32 v11, v17;
	v21 =	vor.u32 v2, v3;
	v5 =	vadd.f32 v8, v17;
	v8 =	vld.idx.msk [tilespmem:v23+s4+$0x0], $0xffff  }
0x21: {  	s14 =	simm.s32 $0x8;
	v3 =	vld.idx.msk [tilespmem:v4+s4+$0x0], $0xffff;
	v18 =	vmin.f32 v7, v16;
	v22 =	vadd.f32 v16, v17;
	v4 =	vimm.f32 $0.0e+00  }
.LBB2_4:
0x22: {  	s15 =	sadd.s32 $0x1, s14  }
0x23: {  	s16 =	sadd.s32 $0x2, s14;
	s17 =	sadd.s32 $0x3, s14;
	v7 =	vmin.f32 v7, v11;
	v17 =	vadd.f32 v20, v17;
	v11 =	vmul.f32 v16, v16;
	s18 =	smov.u32 s14  }
0x24: {  	s19 =	sadd.s32 $0x7, s14;
	v24 =	vmul.f32 v14, v14;
	v25 =	vmovc v14;
	v16 =	vmov s15;
	v20 =	vmov s16;
	s15 =	sadd.s32 $0x5, s14;
	s16 =	sadd.s32 $0x6, s14;
	v23 =	vld.idx.msk [tilespmem:v15+s4+$0x0], $0xffff  }
0x25: {  	p0 =	slt.u32 s14, $0x78;
	s20 =	sadd.s32 $0x4, s18;
	s14 =	sadd.s32 $0x8, s14;
	v14 =	vand.u32 $0x79, v16;
	v15 =	vand.u32 $0x7A, v20;
	v16 =	vld.idx.msk [tilespmem:v21+s4+$0x0], $0xffff;
	v19 =	vadd.f32 v11, v19  }
0x26: {  	v11 =	vmov s18;
	v20 =	vmov s16;
	v14 =	vbroadcast v14, $0x0  }
0x27: {  	v21 =	vmov s17;
	v22 =	vadd.f32 v3, v22;
	v11 =	vand.u32 $0x78, v11  }
0x28: {  	v18 =	vmin.f32 v18, v3;
	v11 =	vbroadcast v11, $0x0;
	v14 =	vor.u32 v2, v14  }
0x29: {  	v28 =	vmov s19;
	v26 =	vmov s20;
	v27 =	vmov s15  }
0x2a: {  	v15 =	vbroadcast v15, $0x0;
	v13 =	vadd.f32 v8, v13;
	v29 =	vor.u32 v2, v11  }
0x2b: {  	v27 =	vand.u32 $0x7D, v27;
	v11 =	vand.u32 $0x7F, v28;
	v12 =	vadd.f32 v16, v12  }
0x2c: {  	v21 =	vand.u32 $0x7B, v21;
	v7 =	vmin.f32 v7, v8;
	v28 =	vbroadcast v11, $0x0  }
0x2d: {  	v9 =	vmin.f32 v9, v16;
	v11 =	vld.idx.msk [tilespmem:v14+s4+$0x0], $0xffff;
	v14 =	vor.u32 v2, v15;
	v15 =	vbroadcast v27, $0x0  }
0x2e: {  	v20 =	vand.u32 $0x7E, v20;
	v27 =	vor.u32 v2, v28;
	v28 =	vmul.f32 v23, v23  }
0x2f: {  	v16 =	vmul.f32 v16, v16;
	v29 =	vld.idx.msk [tilespmem:v29+s4+$0x0], $0xffff;
	v30 =	vor.u32 v2, v15;
	v15 =	vbroadcast v20, $0x0  }
0x30: {  	v8 =	vmul.f32 v8, v8;
	v20 =	vbroadcast v21, $0x0;
	v10 =	vadd.f32 v28, v10  }
0x31: {  	v6 =	vmin.f32 v6, v23;
	v5 =	vadd.f32 v16, v5;
	v28 =	vor.u32 v2, v15  }
0x32: {  	v17 =	vadd.f32 v8, v17;
	v4 =	vadd.f32 v23, v4;
	v15 =	vor.u32 v2, v20;
	v16 =	vld.idx.msk [tilespmem:v14+s4+$0x0], $0xffff  }
0x33: {  	v3 =	vmul.f32 v3, v3;
	v8 =	vand.u32 $0x7C, v26;
	v20 =	vmul.f32 v11, v11  }
.Ltmp0:
0x34: {  	v8 =	vbroadcast v8, $0x0;
	v4 =	vadd.f32 v25, v4;
	v13 =	vadd.f32 v11, v13;
	v14 =	vld.idx.msk [tilespmem:v27+s4+$0x0], $0xffff;
	(pc) =	sbr.rel @p0 .LBB2_4-.Ltmp0, $4  }
0x35: {  	v19 =	vadd.f32 v3, v19;
	v12 =	vadd.f32 v29, v12;
	v23 =	vmul.f32 v29, v29  }
0x36: {  	v6 =	vmin.f32 v6, v25;
	v21 =	vor.u32 v2, v8;
	v9 =	vmin.f32 v9, v29;
	v3 =	vld.idx.msk [tilespmem:v28+s4+$0x0], $0xffff  }
0x37: {  	v10 =	vadd.f32 v24, v10;
	v5 =	vadd.f32 v23, v5;
	v8 =	vld.idx.msk [tilespmem:v30+s4+$0x0], $0xffff  }
0x38: {  	v18 =	vmin.f32 v18, v16;
	v22 =	vadd.f32 v16, v22  }
0x39: {  	_ =	sdelay $0x3  }
0x3a: {  	v15 =	vld.idx.msk [tilespmem:v15+s4+$0x0], $0xffff  }
0x3b: {  	v21 =	vld.idx.msk [tilespmem:v21+s4+$0x0], $0xffff;
	v16 =	vmul.f32 v16, v16  }
0x3c: {  	v7 =	vmin.f32 v7, v11  }
0x3d: {  	v11 =	vadd.f32 v20, v17;
	v17 =	vmul.f32 v14, v14;
	v16 =	vadd.f32 v16, v19  }
0x3e: {  	v19 =	vadd.f32 v3, v22;
	v18 =	vmin.f32 v18, v3;
	v3 =	vmul.f32 v3, v3  }
0x3f: {  	v13 =	vadd.f32 v8, v13;
	v7 =	vmin.f32 v7, v8;
	v8 =	vmul.f32 v8, v8  }
0x40: {  	v12 =	vadd.f32 v21, v12;
	v20 =	vmul.f32 v15, v15;
	v22 =	vmul.f32 v21, v21  }
0x41: {  	v4 =	vadd.f32 v15, v4;
	v9 =	vmin.f32 v9, v21;
	v6 =	vmin.f32 v6, v15  }
0x42: {  	v8 =	vadd.f32 v8, v11;
	v11 =	vadd.f32 v3, v16;
	v3 =	vmin.f32 v6, v14  }
0x43: {  	v7 =	vmin.f32 v9, v7;
	v10 =	vadd.f32 v20, v10;
	v4 =	vadd.f32 v14, v4  }
0x44: {  	v5 =	vadd.f32 v22, v5;
	v6 =	vadd.f32 v13, v12;
	v3 =	vmin.f32 v18, v3  }
0x45: {  	v3 =	vmin.f32 v7, v3;
	v4 =	vadd.f32 v4, v19;
	v10 =	vadd.f32 v17, v10  }
0x46: {  	v5 =	vadd.f32 v8, v5;
	v7 =	vadd.f32 v3, v3  }
0x47: {  	v4 =	vadd.f32 v4, v6;
	v6 =	vadd.f32 v10, v11;
	_ =	sdelay $0x1  }
0x48: {  	v5 =	vadd.f32 v6, v5;
	v4 =	vmul.f32 v4, v7;
	v6 =	vmul.f32 v3, v3;
	_ =	sdelay $0x1  }
0x49: {  	v4 =	vsub.f32 v5, v4;
	v5 =	vmul.f32 $1.280000000e+02, v6;
	_ =	sdelay $0x1  }
0x4a: {  	v4 =	vadd.f32 v4, v5;
	_ =	sdelay $0x1  }
0x4b: {  	v4 =	vmax.f32 v4, $0.0e+00  }
0x4c: {  	v4 =	vadd.f32 $1.000000020e-35, v4;
	_ =	sdelay $0x1  }
0x4d: {  	v5 =	vshrl.u32 v4, $0x1;
	v6 =	vmul.f32 $5.000000000e-01, v4  }
0x4e: {  	v5 =	vsub.s32 $0x5F3759DF, v5  }
0x4f: {  	v7 =	vmul.f32 v5, v6;
	_ =	sdelay $0x1  }
0x50: {  	v7 =	vmul.f32 v5, v7;
	_ =	sdelay $0x1  }
0x51: {  	v7 =	vsub.f32 $1.500000000e+00, v7;
	_ =	sdelay $0x1  }
0x52: {  	v5 =	vmul.f32 v5, v7;
	_ =	sdelay $0x1  }
0x53: {  	v7 =	vmul.f32 v5, v6;
	_ =	sdelay $0x1  }
0x54: {  	v7 =	vmul.f32 v7, v5;
	_ =	sdelay $0x1  }
0x55: {  	v7 =	vsub.f32 $1.500000000e+00, v7;
	_ =	sdelay $0x1  }
0x56: {  	v5 =	vmul.f32 v7, v5;
	_ =	sdelay $0x1  }
0x57: {  	v7 =	vmul.f32 v5, v6;
	_ =	sdelay $0x1  }
0x58: {  	v7 =	vmul.f32 v7, v5;
	_ =	sdelay $0x1  }
0x59: {  	v7 =	vsub.f32 $1.500000000e+00, v7;
	_ =	sdelay $0x1  }
0x5a: {  	v5 =	vmul.f32 v7, v5;
	_ =	sdelay $0x1  }
0x5b: {  	v6 =	vmul.f32 v5, v6;
	_ =	sdelay $0x1  }
0x5c: {  	v6 =	vmul.f32 v6, v5;
	_ =	sdelay $0x1  }
0x5d: {  	s14 =	simm.s32 $0x1;
	v6 =	vsub.f32 $1.500000000e+00, v6  }
0x5e: {  	v7 =	vmov s14  }
0x5f: {  	v5 =	vmul.f32 v6, v5;
	v6 =	vand.u32 $0x79, v7  }
0x60: {  	v6 =	vbroadcast v6, $0x0  }
0x61: {  	v4 =	vmul.f32 v5, v4  }
0x62: {  	v21 =	vor.u32 v2, v6  }
0x63: {  	s25 =	simm.s32 $0x3;
	v4 =	vmul.f32 $8.838834610e-02, v4  }
0x64: {  	s31 =	simm.s32 $0x0;
	v5 =	vmov s25  }
0x65: {  	v23 =	vmov s31;
	v6 =	vadd.f32 $1.000000010e-10, v4;
	v4 =	vand.u32 $0x7B, v5  }
0x66: {  	v23 =	vand.u32 $0x78, v23;
	v4 =	vbroadcast v4, $0x0  }
0x67: {  	s15 =	simm.s32 $0x2;
	s28 =	simm.s32 $0x7;
	v23 =	vbroadcast v23, $0x0;
	v5 =	vld.idx.msk [tilespmem:v21+s4+$0x0], $0xffff  }
0x68: {  	s26 =	simm.s32 $0x4;
	v15 =	vmov s15;
	v16 =	vmov s28;
	v4 =	vor.u32 v2, v4  }
0x69: {  	v27 =	vor.u32 v2, v23;
	v15 =	vand.u32 $0x7A, v15;
	v14 =	vmov s26  }
0x6a: {  	s29 =	simm.s32 $0x6;
	s30 =	simm.s32 $0x5;
	v22 =	vimm.f32 $0.0e+00;
	v15 =	vbroadcast v15, $0x0;
	v14 =	vand.u32 $0x7C, v14  }
0x6b: {  	v14 =	vbroadcast v14, $0x0;
	v17 =	vmov s29;
	v19 =	vmov s30  }
0x6c: {  	v17 =	vand.u32 $0x7E, v17;
	v13 =	vmul.f32 $2.500042320e-05, v6;
	v18 =	vsub.f32 v5, v3  }
0x6d: {  	v12 =	vmul.f32 $2.645509540e-01, v6;
	v5 =	vor.u32 v2, v14;
	v14 =	vand.u32 $0x7F, v16;
	v16 =	vld.idx.msk [tilespmem:v4+s4+$0x0], $0xffff  }
0x6e: {  	v11 =	vmul.f32 $5.669614080e-01, v6;
	v9 =	vmul.f32 $9.200634360e-01, v6;
	vm0 =	vgt.f32 v18, v13  }
0x6f: {  	v10 =	vmul.f32 $1.344605680e+00, v6;
	vm1 =	vgt.f32 v18, v12;
	v20 =	vsel vm0, $0x3DFE1906, v1  }
0x70: {  	v8 =	vmul.f32 $1.877651100e+00, v6;
	vm0 =	vgt.f32 v18, v11;
	v20 =	vsel vm1, $0x3ECF6030, v20  }
0x71: {  	v7 =	vmul.f32 $2.596811290e+00, v6;
	vm1 =	vgt.f32 v18, v9;
	v20 =	vsel vm0, $0x3F3A98AC, v20  }
0x72: {  	vm0 =	vgt.f32 v18, v10;
	v20 =	vsel vm1, $0x3F8E3CF1, v20;
	v24 =	vsub.f32 v16, v3  }
0x73: {  	v6 =	vmul.f32 $3.722551580e+00, v6;
	v16 =	vsel vm0, $0x3FC9FB22, v20;
	vm0 =	vgt.f32 v18, v8  }
0x74: {  	vm2 =	vgt.f32 v18, v7;
	v16 =	vsel vm0, $0x400B594E, v16;
	vm0 =	vgt.f32 v24, v13  }
0x75: {  	vm1 =	vgt.f32 v18, v6;
	vm3 =	vgt.f32 v24, v12;
	v20 =	vsel vm0, $0x3DFE1906, v1  }
0x76: {  	v16 =	vsel vm2, $0x40410B02, v16;
	vm0 =	vgt.f32 v24, v11;
	v20 =	vsel vm3, $0x3ECF6030, v20  }
0x77: {  	v34 =	vsel vm1, $0x408DB8C8, v16;
	v16 =	vsel vm0, $0x3F3A98AC, v20;
	vm0 =	vgt.f32 v24, v9  }
0x78: {  	v17 =	vbroadcast v17, $0x0;
	v16 =	vsel vm0, $0x3F8E3CF1, v16;
	vm0 =	vgt.f32 v24, v10  }
0x79: {  	v23 =	vld.idx.msk [tilespmem:v27+s4+$0x0], $0xffff;
	v26 =	vmul.f32 v34, v18;
	v18 =	vsel vm0, $0x3FC9FB22, v16;
	vm0 =	vgt.f32 v24, v8  }
0x7a: {  	v25 =	vld.idx.msk [tilespmem:v5+s4+$0x0], $0xffff;
	v16 =	vor.u32 v2, v15;
	v15 =	vsel vm0, $0x400B594E, v18;
	vm0 =	vgt.f32 v24, v7  }
0x7b: {  	v18 =	vand.u32 $0x7D, v19;
	v15 =	vsel vm0, $0x40410B02, v15;
	vm0 =	vgt.f32 v24, v6  }
0x7c: {  	v28 =	vbroadcast v14, $0x0;
	v18 =	vbroadcast v18, $0x0;
	v20 =	vsel vm0, $0x408DB8C8, v15  }
0x7d: {  	v17 =	vor.u32 v2, v17;
	v15 =	vmul.f32 v34, v34;
	v14 =	vmul.f32 v20, v24  }
0x7e: {  	v24 =	vsub.f32 v23, v3;
	v29 =	vmul.f32 v20, v20;
	v18 =	vor.u32 v2, v18  }
0x7f: {  	v19 =	vadd.f32 v15, v22;
	v15 =	vor.u32 v2, v28;
	v28 =	vsub.f32 v25, v3  }
0x80: {  	v14 =	vadd.f32 v14, v22;
	vm0 =	vgt.f32 v24, v13;
	vm1 =	vgt.f32 v24, v12  }
0x81: {  	v23 =	vld.idx.msk [tilespmem:v16+s4+$0x0], $0xffff;
	vm2 =	vgt.f32 v24, v10;
	vm3 =	vgt.f32 v24, v7;
	v30 =	vsel vm0, $0x3DFE1906, v1  }
0x82: {  	vm0 =	vgt.f32 v24, v11;
	vm5 =	vgt.f32 v28, v13;
	v25 =	vsel vm1, $0x3ECF6030, v30  }
0x83: {  	vm7 =	vgt.f32 v28, v11;
	v25 =	vsel vm0, $0x3F3A98AC, v25;
	vm0 =	vgt.f32 v24, v9  }
0x84: {  	vm9 =	vgt.f32 v28, v8;
	vm1 =	vgt.f32 v24, v8;
	v25 =	vsel vm0, $0x3F8E3CF1, v25  }
0x85: {  	v32 =	vsel vm5, $0x3DFE1906, v1;
	vm5 =	vgt.f32 v28, v12;
	v31 =	vld.idx.msk [tilespmem:v18+s4+$0x0], $0xffff;
	v30 =	vsel vm2, $0x3FC9FB22, v25  }
0x86: {  	vm0 =	vgt.f32 v28, v10;
	v25 =	vsub.f32 v23, v3;
	v30 =	vsel vm1, $0x400B594E, v30  }
0x87: {  	v23 =	vadd.f32 v26, v22;
	vm2 =	vgt.f32 v24, v6;
	v26 =	vsel vm3, $0x40410B02, v30  }
0x88: {  	vm1 =	vgt.f32 v28, v9;
	vm4 =	vgt.f32 v25, v8;
	v36 =	vsel vm2, $0x408DB8C8, v26  }
0x89: {  	vm3 =	vgt.f32 v25, v13;
	vm11 =	vgt.f32 v25, v11;
	v24 =	vmul.f32 v36, v24  }
0x8a: {  	vm6 =	vgt.f32 v25, v7;
	vm13 =	vgt.f32 v25, v9;
	v26 =	vsub.f32 v31, v3  }
0x8b: {  	v30 =	vmul.f32 v36, v36;
	v31 =	vadd.f32 v24, v22;
	v24 =	vsel vm5, $0x3ECF6030, v32;
	v32 =	vld.idx.msk [tilespmem:v15+s4+$0x0], $0xffff  }
0x8c: {  	v33 =	vld.idx.msk [tilespmem:v17+s4+$0x0], $0xffff;
	vm14 =	vgt.f32 v25, v10;
	vm2 =	vgt.f32 v25, v6;
	v35 =	vsel vm3, $0x3DFE1906, v1  }
0x8d: {  	vm5 =	vgt.f32 v26, v6;
	v30 =	vadd.f32 v30, v22;
	[tilespmem:v27+s8+$0x0] =	vst.idx.msk $0xffff, v36;
	v24 =	vsel vm7, $0x3F3A98AC, v24  }
0x8e: {  	vm7 =	vgt.f32 v26, v11;
	[tilespmem:v21+s8+$0x0] =	vst.idx.msk $0xffff, v34;
	v21 =	vimm.f32 $0.0e+00;
	v24 =	vsel vm1, $0x3F8E3CF1, v24  }
0x8f: {  	s14 =	simm.s32 $0x8;
	vm1 =	vgt.f32 v26, v7;
	v36 =	vsel vm0, $0x3FC9FB22, v24;
	v24 =	vimm.f32 $0.0e+00  }
.LBB2_6:
0x90: {  	vm0 =	vgt.f32 v28, v7;
	vm15 =	vgt.f32 v28, v6;
	v32 =	vsub.f32 v32, v3  }
0x91: {  	vm8 =	vgt.f32 v26, v8;
	v37 =	vimm.s32 $0x0;
	v38 =	vimm.s32 $0x0  }
0x92: {  	s15 =	sadd.s32 $0x1, s14;
	s16 =	sadd.s32 $0x2, s14;
	s29 =	sadd.s32 $0x3, s14;
	vm12 =	vgt.f32 v26, v10;
	v36 =	vsel vm9, $0x400B594E, v36;
	v49 =	vsub.f32 v33, v3  }
0x93: {  	s17 =	sadd.s32 $0x4, s14;
	v27 =	vmov s15;
	v34 =	vmov s16;
	v56 =	vmov s29  }
0x94: {  	s18 =	sadd.s32 $0x5, s14;
	v57 =	vmov s17;
	v22 =	vadd.f32 v29, v22;
	v36 =	vsel vm0, $0x40410B02, v36  }
0x95: {  	vm0 =	vgt.f32 v26, v12;
	v41 =	vmov s18;
	v27 =	vand.u32 $0x79, v27  }
0x96: {  	s30 =	smov.u32 s14;
	v34 =	vand.u32 $0x7A, v34;
	vm3 =	vgt.f32 v32, v6;
	v27 =	vbroadcast v27, $0x0  }
0x97: {  	s31 =	sadd.s32 $0x6, s30;
	v29 =	vand.u32 $0x7C, v57;
	vm10 =	vgt.f32 v32, v10;
	vm9 =	vgt.f32 v32, v8  }
0x98: {  	v40 =	vsel vm15, $0x408DB8C8, v36;
	v59 =	vmov s31;
	v27 =	vor.u32 v2, v27  }
0x99: {  	vm15 =	vgt.f32 v32, v12;
	v37 =	vsel vm3, $0xFFFFFFFF, v37;
	v29 =	vbroadcast v29, $0x0  }
0x9a: {  	vm3 =	vgt.f32 v32, v7;
	v28 =	vmul.f32 v40, v28;
	v43 =	vmul.f32 v40, v40  }
0x9b: {  	v36 =	vand.u32 $0x7E, v59;
	[tilespmem:$0x1FFF0] =	vst v37;
	v38 =	vsel vm3, $0xFFFFFFFF, v38;
	v37 =	vand.u32 $0x7B, v56  }
0x9c: {  	vm3 =	vgt.f32 v25, v12;
	v60 =	vbroadcast v36, $0x0;
	v37 =	vbroadcast v37, $0x0  }
0x9d: {  	v29 =	vor.u32 v2, v29;
	v35 =	vsel vm3, $0x3ECF6030, v35;
	vm3 =	vgt.f32 v26, v13;
	v39 =	vld.idx.msk [tilespmem:v27+s4+$0x0], $0xffff  }
0x9e: {  	v31 =	vadd.f32 v28, v31;
	v35 =	vsel vm11, $0x3F3A98AC, v35;
	vm11 =	vgt.f32 v32, v11  }
0x9f: {  	v45 =	vsel vm3, $0x3DFE1906, v1;
	v37 =	vor.u32 v2, v37;
	v35 =	vsel vm13, $0x3F8E3CF1, v35  }
0xa0: {  	vm3 =	vgt.f32 v32, v13;
	vm13 =	vgt.f32 v32, v9;
	v35 =	vsel vm14, $0x3FC9FB22, v35  }
0xa1: {  	v62 =	vsel vm0, $0x3ECF6030, v45;
	vm0 =	vgt.f32 v26, v9;
	v44 =	vsel vm4, $0x400B594E, v35  }
0xa2: {  	v36 =	vsel vm7, $0x3F3A98AC, v62;
	v61 =	vsel vm6, $0x40410B02, v44;
	v28 =	vsub.f32 v39, v3  }
0xa3: {  	vm14 =	vgt.f32 v49, v8;
	v51 =	vsel vm0, $0x3F8E3CF1, v36;
	v39 =	vsel vm2, $0x408DB8C8, v61  }
0xa4: {  	v63 =	vsel vm3, $0x3DFE1906, v1;
	v42 =	vld.idx.msk [tilespmem:v37+s4+$0x0], $0xffff;
	[tilespmem:v16+s8+$0x0] =	vst.idx.msk $0xffff, v39;
	v16 =	vsel vm12, $0x3FC9FB22, v51;
	vm4 =	vgt.f32 v28, v13  }
0xa5: {  	vm12 =	vgt.f32 v49, v12;
	vm6 =	vgt.f32 v28, v12;
	v48 =	vsel vm4, $0x3DFE1906, v1  }
0xa6: {  	v25 =	vmul.f32 v39, v25;
	vm4 =	vgt.f32 v28, v11;
	v44 =	vsel vm6, $0x3ECF6030, v48  }
0xa7: {  	v56 =	vmul.f32 v39, v39;
	vm3 =	vgt.f32 v28, v9;
	v50 =	vsel vm4, $0x3F3A98AC, v44  }
0xa8: {  	vm0 =	vgt.f32 v28, v8;
	vm4 =	vgt.f32 v28, v10;
	v33 =	vsel vm3, $0x3F8E3CF1, v50  }
0xa9: {  	vm7 =	vgt.f32 v28, v7;
	v42 =	vsub.f32 v42, v3;
	[tilespmem:v4+s8+$0x0] =	vst.idx.msk $0xffff, v20;
	v33 =	vsel vm4, $0x3FC9FB22, v33  }
0xaa: {  	v16 =	vsel vm8, $0x400B594E, v16;
	[tilespmem:v5+s8+$0x0] =	vst.idx.msk $0xffff, v40;
	v5 =	vmovc v29;
	v29 =	vand.u32 $0x7D, v41;
	v33 =	vsel vm0, $0x400B594E, v33  }
0xab: {  	v16 =	vsel vm1, $0x40410B02, v16;
	vm3 =	vgt.f32 v28, v6;
	v33 =	vsel vm7, $0x40410B02, v33  }
0xac: {  	v21 =	vadd.f32 v25, v21;
	vm6 =	vgt.f32 v49, v10;
	v52 =	vsel vm3, $0x408DB8C8, v33  }
0xad: {  	v33 =	vmul.f32 v52, v28;
	v28 =	vsel vm15, $0x3ECF6030, v63;
	vm15 =	vgt.f32 v49, v13  }
0xae: {  	v55 =	vbroadcast v29, $0x0;
	v16 =	vsel vm5, $0x408DB8C8, v16;
	v53 =	vsel vm15, $0x3DFE1906, v1  }
0xaf: {  	[tilespmem:v18+s8+$0x0] =	vst.idx.msk $0xffff, v16;
	v18 =	vmul.f32 v16, v26;
	vm0 =	vgt.f32 v49, v11;
	v54 =	vsel vm12, $0x3ECF6030, v53  }
0xb0: {  	v26 =	vmov s30;
	vm3 =	vgt.f32 v49, v9;
	v29 =	vsel vm0, $0x3F3A98AC, v54  }
0xb1: {  	[tilespmem:$0x1FFE0] =	vst v38;
	v16 =	vmul.f32 v16, v16;
	v26 =	vand.u32 $0x78, v26;
	v29 =	vsel vm3, $0x3F8E3CF1, v29  }
0xb2: {  	vm4 =	vgt.f32 v49, v6;
	v26 =	vbroadcast v26, $0x0;
	v25 =	vsel vm6, $0x3FC9FB22, v29;
	v29 =	vld [tilespmem:$0x1FFE0]  }
0xb3: {  	v23 =	vadd.f32 v18, v23;
	v18 =	vld [tilespmem:$0x1FFF0];
	v19 =	vadd.f32 v16, v19;
	v20 =	vsel vm11, $0x3F3A98AC, v28  }
0xb4: {  	vm7 =	vgt.f32 v49, v7;
	v20 =	vsel vm13, $0x3F8E3CF1, v20;
	v25 =	vsel vm14, $0x400B594E, v25  }
0xb5: {  	v26 =	vor.u32 v2, v26;
	v20 =	vsel vm10, $0x3FC9FB22, v20;
	v25 =	vsel vm7, $0x40410B02, v25  }
0xb6: {  	v20 =	vsel vm9, $0x400B594E, v20;
	v16 =	vsel vm4, $0x408DB8C8, v25;
	v25 =	vbroadcast v34, $0x0  }
0xb7: {  	[tilespmem:v17+s8+$0x0] =	vst.idx.msk $0xffff, v16;
	v17 =	vmul.f32 v16, v49;
	vm0 =	vnez.u8 v29;
	v29 =	vmul.f32 v16, v16  }
0xb8: {  	s19 =	sadd.s32 $0x7, s14;
	v16 =	vor.u32 v2, v25;
	v20 =	vsel vm0, $0x40410B02, v20;
	vm0 =	vnez.u8 v18  }
0xb9: {  	v58 =	vmov s19;
	v30 =	vadd.f32 v43, v30;
	v18 =	vsel vm0, $0x408DB8C8, v20  }
0xba: {  	v24 =	vadd.f32 v56, v24;
	vm2 =	vgt.f32 v42, v12;
	v20 =	vmul.f32 v18, v18  }
0xbb: {  	v38 =	vand.u32 $0x7F, v58;
	v21 =	vadd.f32 v17, v21;
	vm0 =	vgt.f32 v42, v13;
	[tilespmem:v15+s8+$0x0] =	vst.idx.msk $0xffff, v18  }
0xbc: {  	v17 =	vmul.f32 v18, v32;
	v18 =	vld.idx.msk [tilespmem:v26+s4+$0x0], $0xffff;
	v22 =	vadd.f32 v20, v22;
	v20 =	vsel vm0, $0x3DFE1906, v1  }
0xbd: {  	v28 =	vbroadcast v38, $0x0;
	vm0 =	vgt.f32 v42, v11;
	v25 =	vld.idx.msk [tilespmem:v16+s4+$0x0], $0xffff;
	v15 =	vsel vm2, $0x3ECF6030, v20  }
0xbe: {  	v23 =	vadd.f32 v33, v23;
	v15 =	vsel vm0, $0x3F3A98AC, v15;
	vm0 =	vgt.f32 v42, v9  }
0xbf: {  	v24 =	vadd.f32 v29, v24;
	v15 =	vsel vm0, $0x3F8E3CF1, v15;
	vm0 =	vgt.f32 v42, v10  }
0xc0: {  	v14 =	vadd.f32 v17, v14;
	v15 =	vsel vm0, $0x3FC9FB22, v15;
	vm0 =	vgt.f32 v42, v8  }
0xc1: {  	v58 =	vsub.f32 v18, v3;
	v15 =	vsel vm0, $0x400B594E, v15;
	vm0 =	vgt.f32 v42, v7  }
0xc2: {  	v18 =	vor.u32 v2, v55;
	v25 =	vsub.f32 v25, v3;
	v15 =	vsel vm0, $0x40410B02, v15  }
0xc3: {  	vm0 =	vgt.f32 v42, v6;
	vm1 =	vgt.f32 v58, v12;
	vm2 =	vgt.f32 v58, v8  }
0xc4: {  	v17 =	vld.idx.msk [tilespmem:v5+s4+$0x0], $0xffff;
	vm3 =	vgt.f32 v58, v7;
	v20 =	vsel vm0, $0x408DB8C8, v15;
	v15 =	vmul.f32 v52, v52  }
0xc5: {  	vm0 =	vgt.f32 v58, v13;
	vm4 =	vgt.f32 v25, v8;
	vm11 =	vgt.f32 v25, v11  }
0xc6: {  	vm6 =	vgt.f32 v25, v7;
	vm13 =	vgt.f32 v25, v9;
	vm14 =	vgt.f32 v25, v10  }
0xc7: {  	v57 =	vmul.f32 v20, v42;
	v29 =	vmul.f32 v20, v20;
	v59 =	vsel vm0, $0x3DFE1906, v1  }
0xc8: {  	vm0 =	vgt.f32 v58, v10;
	v19 =	vadd.f32 v15, v19;
	v15 =	vor.u32 v2, v28  }
0xc9: {  	v28 =	vsub.f32 v17, v3;
	v32 =	vsel vm1, $0x3ECF6030, v59;
	vm1 =	vgt.f32 v58, v11  }
0xca: {  	v17 =	vor.u32 v2, v60;
	v32 =	vsel vm1, $0x3F3A98AC, v32;
	vm1 =	vgt.f32 v58, v9  }
0xcb: {  	v14 =	vadd.f32 v57, v14;
	v61 =	vsel vm1, $0x3F8E3CF1, v32;
	vm1 =	vgt.f32 v28, v10  }
0xcc: {  	v4 =	vmovc v37;
	v60 =	vld.idx.msk [tilespmem:v18+s4+$0x0], $0xffff;
	vm5 =	vgt.f32 v28, v13;
	vm7 =	vgt.f32 v28, v11;
	v37 =	vsel vm0, $0x3FC9FB22, v61  }
0xcd: {  	vm9 =	vgt.f32 v28, v8;
	vm0 =	vgt.f32 v28, v9;
	v37 =	vsel vm2, $0x400B594E, v37  }
0xce: {  	v63 =	vsel vm5, $0x3DFE1906, v1;
	vm2 =	vgt.f32 v58, v6;
	v37 =	vsel vm3, $0x40410B02, v37  }
0xcf: {  	p0 =	slt.u32 s14, $0x78;
	vm5 =	vgt.f32 v28, v12;
	v32 =	vld.idx.msk [tilespmem:v15+s4+$0x0], $0xffff;
	vm3 =	vgt.f32 v25, v13;
	v37 =	vsel vm2, $0x408DB8C8, v37  }
.Ltmp1:
0xd0: {  	v33 =	vld.idx.msk [tilespmem:v17+s4+$0x0], $0xffff;
	vm2 =	vgt.f32 v25, v6;
	v34 =	vmul.f32 v37, v58;
	[tilespmem:v26+s8+$0x0] =	vst.idx.msk $0xffff, v37;
	(pc) =	sbr.rel @p0 .LBB2_6-.Ltmp1, $4  }
0xd1: {  	v35 =	vsel vm3, $0x3DFE1906, v1;
	v26 =	vsub.f32 v60, v3;
	[tilespmem:v27+s8+$0x0] =	vst.idx.msk $0xffff, v52;
	v27 =	vsel vm5, $0x3ECF6030, v63  }
0xd2: {  	v62 =	vmul.f32 v37, v37;
	v31 =	vadd.f32 v34, v31;
	v27 =	vsel vm7, $0x3F3A98AC, v27  }
0xd3: {  	vm5 =	vgt.f32 v26, v6;
	vm7 =	vgt.f32 v26, v11;
	v27 =	vsel vm0, $0x3F8E3CF1, v27  }
0xd4: {  	s14 =	sadd.s32 $0x8, s14;
	v30 =	vadd.f32 v62, v30;
	v36 =	vsel vm1, $0x3FC9FB22, v27;
	vm1 =	vgt.f32 v26, v7  }
0xd5: {  	vm0 =	vgt.f32 v25, v12  }
0xd6: {  	v34 =	vsel vm9, $0x400B594E, v36;
	vm12 =	vgt.f32 v28, v7;
	vm3 =	vgt.f32 v26, v13  }
0xd7: {  	v32 =	vsub.f32 v32, v3;
	vm15 =	vgt.f32 v26, v12;
	vm8 =	vgt.f32 v26, v9  }
0xd8: {  	v33 =	vsub.f32 v33, v3;
	v27 =	vsel vm0, $0x3ECF6030, v35;
	v62 =	vsel vm3, $0x3DFE1906, v1  }
0xd9: {  	v34 =	vsel vm12, $0x40410B02, v34;
	v27 =	vsel vm11, $0x3F3A98AC, v27;
	v35 =	vsel vm15, $0x3ECF6030, v62  }
0xda: {  	vm9 =	vgt.f32 v32, v13;
	vm10 =	vgt.f32 v32, v12;
	vm11 =	vgt.f32 v26, v10  }
0xdb: {  	vm12 =	vgt.f32 v32, v11;
	vm15 =	vgt.f32 v26, v8;
	v27 =	vsel vm13, $0x3F8E3CF1, v27  }
0xdc: {  	vm13 =	vgt.f32 v28, v6;
	v35 =	vsel vm7, $0x3F3A98AC, v35;
	v63 =	vsel vm9, $0x3DFE1906, v1  }
0xdd: {  	vm7 =	vgt.f32 v33, v11;
	vm9 =	vgt.f32 v33, v10;
	v27 =	vsel vm14, $0x3FC9FB22, v27  }
0xde: {  	v34 =	vsel vm13, $0x408DB8C8, v34;
	v35 =	vsel vm8, $0x3F8E3CF1, v35;
	v36 =	vsel vm10, $0x3ECF6030, v63  }
0xdf: {  	vm13 =	vgt.f32 v33, v13;
	vm14 =	vgt.f32 v33, v12;
	vm8 =	vgt.f32 v33, v9  }
0xe0: {  	vm10 =	vgt.f32 v33, v8;
	v27 =	vsel vm4, $0x400B594E, v27;
	v35 =	vsel vm11, $0x3FC9FB22, v35  }
0xe1: {  	v13 =	vsel vm12, $0x3F3A98AC, v36;
	v12 =	vsel vm13, $0x3DFE1906, v1;
	vm4 =	vgt.f32 v32, v9  }
0xe2: {  	vm11 =	vgt.f32 v32, v8;
	vm12 =	vgt.f32 v33, v7;
	vm13 =	vgt.f32 v32, v7  }
0xe3: {  	v27 =	vsel vm6, $0x40410B02, v27;
	v35 =	vsel vm15, $0x400B594E, v35;
	v12 =	vsel vm14, $0x3ECF6030, v12  }
0xe4: {  	vm6 =	vgt.f32 v32, v10;
	v13 =	vsel vm4, $0x3F8E3CF1, v13;
	v11 =	vsel vm7, $0x3F3A98AC, v12  }
0xe5: {  	vm14 =	vgt.f32 v32, v6;
	vm15 =	vgt.f32 v33, v6;
	v11 =	vsel vm8, $0x3F8E3CF1, v11  }
0xe6: {  	v27 =	vsel vm2, $0x408DB8C8, v27;
	v12 =	vsel vm6, $0x3FC9FB22, v13;
	v10 =	vsel vm9, $0x3FC9FB22, v11  }
0xe7: {  	v9 =	vsel vm1, $0x40410B02, v35;
	v8 =	vsel vm10, $0x400B594E, v10;
	v10 =	vsel vm11, $0x400B594E, v12  }
0xe8: {  	v9 =	vsel vm5, $0x408DB8C8, v9;
	v7 =	vsel vm12, $0x40410B02, v8;
	v8 =	vsel vm13, $0x40410B02, v10  }
0xe9: {  	v11 =	vmul.f32 v34, v34;
	v6 =	vsel vm14, $0x408DB8C8, v8;
	v8 =	vmul.f32 v27, v27  }
0xea: {  	v12 =	vmul.f32 v9, v9;
	v10 =	vadd.f32 v29, v22;
	v7 =	vsel vm15, $0x408DB8C8, v7  }
0xeb: {  	v13 =	vmul.f32 v6, v6;
	v22 =	vmul.f32 v7, v7;
	v8 =	vadd.f32 v8, v24  }
0xec: {  	v11 =	vadd.f32 v11, v30;
	v12 =	vadd.f32 v12, v19  }
0xed: {  	v10 =	vadd.f32 v13, v10;
	v8 =	vadd.f32 v22, v8;
	_ =	sdelay $0x1  }
0xee: {  	v11 =	vadd.f32 v12, v11;
	v8 =	vadd.f32 v10, v8  }
0xef: {  	s14 =	simm.s32 $0x0  }
0xf0: {  	v10 =	vmov s14;
	v8 =	vadd.f32 v8, v11  }
0xf1: {  	[tilespmem:v16+s8+$0x0] =	vst.idx.msk $0xffff, v27;
	v12 =	vmul.f32 v27, v25;
	v10 =	vand.u32 $0x78, v10  }
0xf2: {  	[tilespmem:v4+s8+$0x0] =	vst.idx.msk $0xffff, v20;
	(erf) = vrcp.f32 v8;
	v8 =	vbroadcast v10, $0x0  }
0xf3: {  	v4 =	vadd.f32 v12, v21;
	v12 =	vmul.f32 v7, v33;
	v11 =	vmul.f32 v34, v28  }
0xf4: {  	v13 =	vmul.f32 v6, v32;
	v10 =	vmul.f32 v9, v26;
	v8 =	vor.u32 v2, v8  }
0xf5: {  	[tilespmem:v5+s8+$0x0] =	vst.idx.msk $0xffff, v34;
	v4 =	vadd.f32 v12, v4;
	v11 =	vadd.f32 v11, v31  }
0xf6: {  	[tilespmem:v18+s8+$0x0] =	vst.idx.msk $0xffff, v9;
	v9 =	vadd.f32 v13, v14;
	v5 =	vadd.f32 v10, v23  }
0xf7: {  	[tilespmem:v17+s8+$0x0] =	vst.idx.msk $0xffff, v7  }
0xf8: {  	[tilespmem:v15+s8+$0x0] =	vst.idx.msk $0xffff, v6;
	v4 =	vadd.f32 v9, v4;
	v5 =	vadd.f32 v5, v11  }
0xf9: {  	s15 =	simm.s32 $0x1;
	v6 =	vld.idx.msk [tilespmem:v8+s8+$0x0], $0xffff  }
0xfa: {  	v4 =	vadd.f32 v4, v5;
	v5 =	vmov s15  }
0xfb: {  	v5 =	vand.u32 $0x79, v5;
	v7 =	vpop (erf)  }
0xfc: {  	v5 =	vbroadcast v5, $0x0;
	v4 =	vmul.f32 v7, v4  }
0xfd: {  	s15 =	simm.s32 $0x8  }
0xfe: {  	v5 =	vor.u32 v2, v5;
	v7 =	vmov s15;
	v6 =	vmul.f32 v6, v4  }
0xff: {  	v7 =	vand.u32 $0x78, v7  }
0x100: {  	v7 =	vbroadcast v7, $0x0;
	v6 =	vadd.f32 v6, v3;
	_ =	sdelay $0x1  }
0x101: {  	[tilespmem:v8+s8+$0x0] =	vst.idx.msk $0xffff, v6;
	v6 =	vor.u32 v2, v7  }
0x102: {  	s16 =	simm.s32 $0x2;
	v7 =	vld.idx.msk [tilespmem:v5+s8+$0x0], $0xffff  }
0x103: {  	v8 =	vmov s16  }
0x104: {  	v8 =	vand.u32 $0x7A, v8  }
0x105: {  	v8 =	vbroadcast v8, $0x0  }
0x106: {  	s17 =	simm.s32 $0x9;
	v9 =	vld.idx.msk [tilespmem:v6+s8+$0x0], $0xffff  }
0x107: {  	v10 =	vmov s17;
	v8 =	vor.u32 v2, v8;
	v7 =	vmul.f32 v7, v4  }
0x108: {  	v10 =	vand.u32 $0x79, v10  }
0x109: {  	v10 =	vbroadcast v10, $0x0;
	v7 =	vadd.f32 v7, v3;
	_ =	sdelay $0x1  }
0x10a: {  	s14 =	simm.s32 $0x10;
	[tilespmem:v5+s8+$0x0] =	vst.idx.msk $0xffff, v7;
	v7 =	vmul.f32 v9, v4;
	v9 =	vor.u32 v2, v10  }
0x10b: {  	s16 =	simm.s32 $0x3;
	v5 =	vmov s14;
	v10 =	vld.idx.msk [tilespmem:v8+s8+$0x0], $0xffff  }
0x10c: {  	v11 =	vmov s16;
	v5 =	vand.u32 $0x78, v5;
	v7 =	vadd.f32 v7, v3  }
0x10d: {  	v11 =	vand.u32 $0x7B, v11;
	v5 =	vbroadcast v5, $0x0  }
0x10e: {  	v11 =	vbroadcast v11, $0x0;
	[tilespmem:v6+s8+$0x0] =	vst.idx.msk $0xffff, v7  }
0x10f: {  	s18 =	simm.s32 $0xA;
	v5 =	vor.u32 v2, v5;
	v6 =	vld.idx.msk [tilespmem:v9+s8+$0x0], $0xffff  }
0x110: {  	v7 =	vmul.f32 v10, v4;
	v10 =	vor.u32 v2, v11;
	v11 =	vmov s18  }
0x111: {  	v11 =	vand.u32 $0x7A, v11  }
0x112: {  	v7 =	vadd.f32 v7, v3;
	v11 =	vbroadcast v11, $0x0;
	_ =	sdelay $0x1  }
0x113: {  	s19 =	simm.s32 $0x11;
	v12 =	vld.idx.msk [tilespmem:v5+s8+$0x0], $0xffff;
	[tilespmem:v8+s8+$0x0] =	vst.idx.msk $0xffff, v7;
	v6 =	vmul.f32 v6, v4;
	v8 =	vor.u32 v2, v11  }
0x114: {  	s17 =	simm.s32 $0x4;
	v7 =	vmov s19;
	v11 =	vld.idx.msk [tilespmem:v10+s8+$0x0], $0xffff  }
0x115: {  	v13 =	vmov s17;
	v7 =	vand.u32 $0x79, v7;
	v6 =	vadd.f32 v6, v3  }
0x116: {  	v13 =	vand.u32 $0x7C, v13;
	v7 =	vbroadcast v7, $0x0  }
0x117: {  	v13 =	vbroadcast v13, $0x0;
	[tilespmem:v9+s8+$0x0] =	vst.idx.msk $0xffff, v6  }
0x118: {  	s16 =	simm.s32 $0x18;
	v6 =	vmul.f32 v12, v4;
	v7 =	vor.u32 v2, v7;
	v12 =	vld.idx.msk [tilespmem:v8+s8+$0x0], $0xffff  }
0x119: {  	s20 =	simm.s32 $0xB;
	v13 =	vor.u32 v2, v13;
	v14 =	vmov s16;
	v11 =	vmul.f32 v11, v4  }
0x11a: {  	v9 =	vand.u32 $0x78, v14;
	v14 =	vmov s20;
	v6 =	vadd.f32 v6, v3  }
0x11b: {  	v9 =	vbroadcast v9, $0x0;
	v14 =	vand.u32 $0x7B, v14;
	v11 =	vadd.f32 v11, v3  }
0x11c: {  	[tilespmem:v5+s8+$0x0] =	vst.idx.msk $0xffff, v6;
	v5 =	vbroadcast v14, $0x0  }
0x11d: {  	s21 =	simm.s32 $0x12;
	v6 =	vor.u32 v2, v9;
	v9 =	vld.idx.msk [tilespmem:v7+s8+$0x0], $0xffff;
	[tilespmem:v10+s8+$0x0] =	vst.idx.msk $0xffff, v11;
	v10 =	vmul.f32 v12, v4  }
0x11e: {  	s22 =	simm.s32 $0x5;
	v5 =	vor.u32 v2, v5;
	v12 =	vmov s21  }
0x11f: {  	v14 =	vmov s22;
	v11 =	vld.idx.msk [tilespmem:v13+s8+$0x0], $0xffff;
	v12 =	vand.u32 $0x7A, v12;
	v10 =	vadd.f32 v10, v3  }
0x120: {  	v14 =	vand.u32 $0x7D, v14;
	v12 =	vbroadcast v12, $0x0  }
0x121: {  	s18 =	simm.s32 $0x19;
	[tilespmem:v8+s8+$0x0] =	vst.idx.msk $0xffff, v10;
	v8 =	vbroadcast v14, $0x0  }
0x122: {  	s23 =	simm.s32 $0xC;
	v15 =	vld.idx.msk [tilespmem:v6+s8+$0x0], $0xffff;
	v9 =	vmul.f32 v9, v4;
	v10 =	vor.u32 v2, v12;
	v14 =	vmov s18  }
0x123: {  	v12 =	vmov s23;
	v16 =	vld.idx.msk [tilespmem:v5+s8+$0x0], $0xffff;
	v14 =	vand.u32 $0x79, v14  }
0x124: {  	v11 =	vmul.f32 v11, v4;
	v8 =	vor.u32 v2, v8;
	v9 =	vadd.f32 v9, v3  }
0x125: {  	v12 =	vand.u32 $0x7C, v12;
	v14 =	vbroadcast v14, $0x0  }
0x126: {  	s17 =	simm.s32 $0x20;
	v11 =	vadd.f32 v11, v3;
	[tilespmem:v7+s8+$0x0] =	vst.idx.msk $0xffff, v9;
	v7 =	vbroadcast v12, $0x0  }
0x127: {  	v9 =	vmov s17;
	v12 =	vmul.f32 v15, v4;
	v14 =	vor.u32 v2, v14;
	v15 =	vld.idx.msk [tilespmem:v10+s8+$0x0], $0xffff  }
0x128: {  	s24 =	simm.s32 $0x13;
	v9 =	vand.u32 $0x78, v9;
	[tilespmem:v13+s8+$0x0] =	vst.idx.msk $0xffff, v11;
	v11 =	vmul.f32 v16, v4;
	v17 =	vor.u32 v2, v7  }
0x129: {  	s19 =	simm.s32 $0x6;
	v7 =	vmov s24;
	v12 =	vadd.f32 v12, v3;
	v9 =	vbroadcast v9, $0x0;
	v13 =	vld.idx.msk [tilespmem:v8+s8+$0x0], $0xffff  }
0x12a: {  	s26 =	simm.s32 $0xD;
	v16 =	vmov s19;
	v7 =	vand.u32 $0x7B, v7;
	v11 =	vadd.f32 v11, v3  }
0x12b: {  	v19 =	vmov s26;
	[tilespmem:v6+s8+$0x0] =	vst.idx.msk $0xffff, v12;
	v6 =	vbroadcast v7, $0x0;
	v7 =	vand.u32 $0x7E, v16  }
0x12c: {  	v19 =	vand.u32 $0x7D, v19;
	s20 =	simm.s32 $0x1A;
	v12 =	vor.u32 v2, v9;
	v9 =	vld.idx.msk [tilespmem:v14+s8+$0x0], $0xffff;
	[tilespmem:v5+s8+$0x0] =	vst.idx.msk $0xffff, v11;
	v5 =	vbroadcast v7, $0x0  }
0x12d: {  	v18 =	vmov s20;
	v11 =	vmul.f32 v15, v4;
	v7 =	vor.u32 v2, v6;
	v6 =	vld.idx.msk [tilespmem:v17+s8+$0x0], $0xffff  }
0x12e: {  	s25 =	simm.s32 $0x7;
	v18 =	vand.u32 $0x7A, v18;
	v13 =	vmul.f32 v13, v4;
	v5 =	vor.u32 v2, v5  }
0x12f: {  	v18 =	vbroadcast v18, $0x0;
	v15 =	vmov s25;
	v11 =	vadd.f32 v11, v3  }
0x130: {  	v19 =	vbroadcast v19, $0x0;
	s18 =	simm.s32 $0x28;
	v15 =	vand.u32 $0x7F, v15;
	v13 =	vadd.f32 v13, v3  }
0x131: {  	s29 =	simm.s32 $0x21;
	v16 =	vmov s18;
	v20 =	vld.idx.msk [tilespmem:v12+s8+$0x0], $0xffff;
	[tilespmem:v10+s8+$0x0] =	vst.idx.msk $0xffff, v11;
	v11 =	vmul.f32 v9, v4;
	v9 =	vor.u32 v2, v18  }
0x132: {  	s28 =	simm.s32 $0x14;
	v18 =	vmov s29;
	v21 =	vld.idx.msk [tilespmem:v7+s8+$0x0], $0xffff;
	v22 =	vmul.f32 v6, v4;
	v6 =	vor.u32 v2, v19;
	[tilespmem:v8+s8+$0x0] =	vst.idx.msk $0xffff, v13  }
0x133: {  	v10 =	vmov s28;
	v18 =	vand.u32 $0x79, v18;
	v11 =	vadd.f32 v11, v3;
	v13 =	vld.idx.msk [tilespmem:v5+s8+$0x0], $0xffff  }
0x134: {  	v10 =	vand.u32 $0x7C, v10;
	v8 =	vbroadcast v18, $0x0;
	v19 =	vadd.f32 v22, v3  }
0x135: {  	s30 =	simm.s32 $0xE;
	v18 =	vand.u32 $0x78, v16;
	[tilespmem:v14+s8+$0x0] =	vst.idx.msk $0xffff, v11;
	v11 =	vbroadcast v10, $0x0;
	v10 =	vbroadcast v15, $0x0  }
0x136: {  	s31 =	simm.s32 $0x1B;
	v20 =	vmul.f32 v20, v4;
	v15 =	vor.u32 v2, v8;
	v14 =	vmov s30;
	v16 =	vld.idx.msk [tilespmem:v9+s8+$0x0], $0xffff;
	[tilespmem:v17+s8+$0x0] =	vst.idx.msk $0xffff, v19  }
0x137: {  	s19 =	simm.s32 $0x30;
	v19 =	vmov s31;
	v17 =	vmul.f32 v21, v4;
	v8 =	vor.u32 v2, v11;
	v11 =	vld.idx.msk [tilespmem:v6+s8+$0x0], $0xffff  }
.LBB2_8:
0x138: {  	p0 =	slt.u32 s19, $0x78;
	v20 =	vadd.f32 v20, v3;
	v13 =	vmul.f32 v13, v4;
	v21 =	vor.u32 v2, v10  }
0x139: {  	v10 =	vbroadcast v18, $0x0;
	v18 =	vand.u32 $0x7B, v19;
	v17 =	vadd.f32 v17, v3  }
0x13a: {  	v14 =	vand.u32 $0x7E, v14;
	v18 =	vbroadcast v18, $0x0;
	[tilespmem:v12+s8+$0x0] =	vst.idx.msk $0xffff, v20;
	v13 =	vadd.f32 v13, v3  }
0x13b: {  	v19 =	vmov s19;
	s20 =	sadd.s32 $0x7, s15;
	s15 =	smov.u32 s14;
	s14 =	smov.u32 s16;
	v14 =	vbroadcast v14, $0x0;
	v12 =	vor.u32 v2, v10;
	v10 =	vld.idx.msk [tilespmem:v15+s8+$0x0], $0xffff;
	[tilespmem:v7+s8+$0x0] =	vst.idx.msk $0xffff, v17  }
0x13c: {  	s21 =	sadd.s32 $0x2, s17;
	s16 =	smov.u32 s17;
	s17 =	smov.u32 s18;
	v20 =	vmov s20;
	v16 =	vmul.f32 v16, v4;
	v7 =	vor.u32 v2, v18;
	v17 =	vld.idx.msk [tilespmem:v8+s8+$0x0], $0xffff;
	[tilespmem:v5+s8+$0x0] =	vst.idx.msk $0xffff, v13  }
0x13d: {  	s18 =	smov.u32 s19;
	s20 =	sadd.s32 $0x5, s15;
	v13 =	vmov s21;
	v11 =	vmul.f32 v11, v4;
	v5 =	vor.u32 v2, v14;
	v14 =	vld.idx.msk [tilespmem:v21+s8+$0x0], $0xffff  }
0x13e: {  	v18 =	vmov s20;
	v13 =	vand.u32 $0x7A, v13;
	v16 =	vadd.f32 v16, v3  }
0x13f: {  	s20 =	sadd.s32 $0x4, s14;
	v22 =	vand.u32 $0x7D, v18;
	v13 =	vbroadcast v13, $0x0;
	v11 =	vadd.f32 v11, v3  }
0x140: {  	v18 =	vand.u32 $0x78, v19;
	s21 =	sadd.s32 $0x1, s17;
	v22 =	vbroadcast v22, $0x0;
	v19 =	vld.idx.msk [tilespmem:v12+s8+$0x0], $0xffff;
	[tilespmem:v9+s8+$0x0] =	vst.idx.msk $0xffff, v16;
	v16 =	vmov s20  }
0x141: {  	v23 =	vmov s21;
	v10 =	vmul.f32 v10, v4;
	v9 =	vor.u32 v2, v13;
	v24 =	vld.idx.msk [tilespmem:v7+s8+$0x0], $0xffff;
	[tilespmem:v6+s8+$0x0] =	vst.idx.msk $0xffff, v11  }
0x142: {  	v11 =	vmul.f32 v17, v4;
	v6 =	vor.u32 v2, v22;
	v17 =	vand.u32 $0x7F, v20;
	v13 =	vld.idx.msk [tilespmem:v5+s8+$0x0], $0xffff  }
.Ltmp2:
0x143: {  	v20 =	vand.u32 $0x79, v23;
	v10 =	vadd.f32 v10, v3;
	v14 =	vmul.f32 v14, v4;
	(pc) =	sbr.rel @p0 .LBB2_8-.Ltmp2, $4  }
0x144: {  	v16 =	vand.u32 $0x7C, v16;
	v22 =	vbroadcast v20, $0x0;
	v11 =	vadd.f32 v11, v3  }
0x145: {  	s20 =	sadd.s32 $0x6, s15;
	v23 =	vbroadcast v16, $0x0;
	v25 =	vadd.f32 v14, v3;
	[tilespmem:v15+s8+$0x0] =	vst.idx.msk $0xffff, v10;
	v10 =	vbroadcast v17, $0x0  }
0x146: {  	s21 =	sadd.s32 $0x3, s16;
	v14 =	vmov s20;
	v20 =	vmul.f32 v19, v4;
	v15 =	vor.u32 v2, v22;
	v16 =	vld.idx.msk [tilespmem:v9+s8+$0x0], $0xffff;
	[tilespmem:v8+s8+$0x0] =	vst.idx.msk $0xffff, v11  }
0x147: {  	s19 =	sadd.s32 $0x8, s19;
	v19 =	vmov s21;
	v17 =	vmul.f32 v24, v4;
	v8 =	vor.u32 v2, v23;
	v11 =	vld.idx.msk [tilespmem:v6+s8+$0x0], $0xffff;
	[tilespmem:v21+s8+$0x0] =	vst.idx.msk $0xffff, v25  }
0x148: {  	v18 =	vbroadcast v18, $0x0;
	_ =	sdelay $0x1  }
0x149: {  	v18 =	vor.u32 v2, v18;
	_ =	sdelay $0x4  }
0x14a: {  	s19 =	sadd.s32 $0x1, s18;
	v21 =	vld.idx.msk [tilespmem:v18+s8+$0x0], $0xffff  }
0x14b: {  	v22 =	vmov s19  }
0x14c: {  	v22 =	vand.u32 $0x79, v22  }
0x14d: {  	v22 =	vbroadcast v22, $0x0;
	_ =	sdelay $0x1  }
0x14e: {  	v22 =	vor.u32 v2, v22;
	v21 =	vmul.f32 v21, v4  }
0x14f: {  	v20 =	vadd.f32 v20, v3  }
0x150: {  	v21 =	vadd.f32 v21, v3  }
0x151: {  	[tilespmem:v12+s8+$0x0] =	vst.idx.msk $0xffff, v20  }
0x152: {  	s23 =	sadd.s32 $0x2, s17;
	v12 =	vld.idx.msk [tilespmem:v15+s8+$0x0], $0xffff;
	[tilespmem:v18+s8+$0x0] =	vst.idx.msk $0xffff, v21  }
0x153: {  	s24 =	sadd.s32 $0x2, s18;
	v24 =	vmov s23;
	v25 =	vld.idx.msk [tilespmem:v22+s8+$0x0], $0xffff  }
0x154: {  	v26 =	vmov s24;
	v18 =	vand.u32 $0x7A, v24  }
0x155: {  	v21 =	vand.u32 $0x7A, v26;
	v18 =	vbroadcast v18, $0x0  }
0x156: {  	v21 =	vbroadcast v21, $0x0  }
0x157: {  	v12 =	vmul.f32 v12, v4;
	v18 =	vor.u32 v2, v18  }
0x158: {  	v21 =	vor.u32 v2, v21;
	v20 =	vmul.f32 v25, v4  }
0x159: {  	v12 =	vadd.f32 v12, v3  }
0x15a: {  	v20 =	vadd.f32 v20, v3  }
0x15b: {  	[tilespmem:v15+s8+$0x0] =	vst.idx.msk $0xffff, v12  }
0x15c: {  	s25 =	sadd.s32 $0x3, s17;
	v12 =	vld.idx.msk [tilespmem:v18+s8+$0x0], $0xffff;
	[tilespmem:v22+s8+$0x0] =	vst.idx.msk $0xffff, v20  }
0x15d: {  	v27 =	vand.u32 $0x7B, v19;
	s26 =	sadd.s32 $0x3, s18;
	v28 =	vmov s25;
	v20 =	vld.idx.msk [tilespmem:v21+s8+$0x0], $0xffff  }
0x15e: {  	v29 =	vmov s26;
	v19 =	vand.u32 $0x7B, v28;
	v15 =	vbroadcast v27, $0x0  }
0x15f: {  	v19 =	vbroadcast v19, $0x0;
	v22 =	vand.u32 $0x7B, v29  }
0x160: {  	v16 =	vmul.f32 v16, v4;
	v15 =	vor.u32 v2, v15;
	v22 =	vbroadcast v22, $0x0  }
0x161: {  	v19 =	vor.u32 v2, v19;
	v12 =	vmul.f32 v12, v4  }
0x162: {  	v16 =	vadd.f32 v16, v3;
	v22 =	vor.u32 v2, v22;
	v20 =	vmul.f32 v20, v4  }
0x163: {  	v12 =	vadd.f32 v12, v3  }
0x164: {  	[tilespmem:v9+s8+$0x0] =	vst.idx.msk $0xffff, v16;
	v30 =	vadd.f32 v20, v3  }
0x165: {  	s28 =	sadd.s32 $0x4, s16;
	v16 =	vld.idx.msk [tilespmem:v15+s8+$0x0], $0xffff;
	[tilespmem:v18+s8+$0x0] =	vst.idx.msk $0xffff, v12  }
0x166: {  	s29 =	sadd.s32 $0x4, s17;
	v31 =	vmov s28;
	v18 =	vld.idx.msk [tilespmem:v19+s8+$0x0], $0xffff;
	[tilespmem:v21+s8+$0x0] =	vst.idx.msk $0xffff, v30  }
0x167: {  	s30 =	sadd.s32 $0x4, s18;
	v32 =	vadd.f32 v17, v3;
	v33 =	vmov s29;
	v12 =	vand.u32 $0x7C, v31;
	v34 =	vld.idx.msk [tilespmem:v22+s8+$0x0], $0xffff  }
0x168: {  	v35 =	vmov s30;
	v17 =	vand.u32 $0x7C, v33;
	v12 =	vbroadcast v12, $0x0  }
0x169: {  	v37 =	vand.u32 $0x7C, v35;
	v36 =	vbroadcast v17, $0x0  }
0x16a: {  	v9 =	vbroadcast v37, $0x0;
	v16 =	vmul.f32 v16, v4;
	v12 =	vor.u32 v2, v12  }
0x16b: {  	[tilespmem:v7+s8+$0x0] =	vst.idx.msk $0xffff, v32;
	v7 =	vor.u32 v2, v36;
	v18 =	vmul.f32 v18, v4  }
0x16c: {  	s31 =	sadd.s32 $0x5, s14;
	v38 =	vld.idx.msk [tilespmem:v8+s8+$0x0], $0xffff;
	v9 =	vor.u32 v2, v9;
	v16 =	vadd.f32 v16, v3;
	v20 =	vmul.f32 v34, v4  }
0x16d: {  	v39 =	vmov s31;
	v18 =	vadd.f32 v18, v3  }
0x16e: {  	[tilespmem:v15+s8+$0x0] =	vst.idx.msk $0xffff, v16;
	v21 =	vand.u32 $0x7D, v39;
	v40 =	vadd.f32 v20, v3  }
0x16f: {  	s20 =	sadd.s32 $0x5, s16;
	s21 =	sadd.s32 $0x5, s17;
	s22 =	sadd.s32 $0x5, s18;
	v14 =	vand.u32 $0x7E, v14;
	v21 =	vbroadcast v21, $0x0;
	v42 =	vld.idx.msk [tilespmem:v12+s8+$0x0], $0xffff;
	[tilespmem:v19+s8+$0x0] =	vst.idx.msk $0xffff, v18  }
0x170: {  	v44 =	vmov s20;
	v48 =	vmov s21;
	v50 =	vmov s22;
	v45 =	vld.idx.msk [tilespmem:v7+s8+$0x0], $0xffff;
	[tilespmem:v22+s8+$0x0] =	vst.idx.msk $0xffff, v40  }
0x171: {  	v47 =	vand.u32 $0x7D, v44;
	v41 =	vmul.f32 v38, v4;
	v43 =	vor.u32 v2, v21;
	v49 =	vld.idx.msk [tilespmem:v9+s8+$0x0], $0xffff  }
0x172: {  	v14 =	vbroadcast v14, $0x0;
	v16 =	vbroadcast v47, $0x0;
	v19 =	vand.u32 $0x7D, v48  }
0x173: {  	v46 =	vadd.f32 v41, v3;
	v19 =	vbroadcast v19, $0x0;
	v22 =	vand.u32 $0x7D, v50  }
0x174: {  	s23 =	sadd.s32 $0x6, s14;
	v52 =	vor.u32 v2, v16;
	v51 =	vmul.f32 v42, v4;
	v53 =	vbroadcast v22, $0x0  }
0x175: {  	v55 =	vmov s23;
	[tilespmem:v8+s8+$0x0] =	vst.idx.msk $0xffff, v46;
	v19 =	vor.u32 v2, v19;
	v20 =	vmul.f32 v45, v4  }
0x176: {  	v54 =	vld.idx.msk [tilespmem:v43+s8+$0x0], $0xffff;
	v8 =	vadd.f32 v51, v3;
	v16 =	vor.u32 v2, v53;
	v21 =	vmul.f32 v49, v4  }
0x177: {  	v14 =	vor.u32 v2, v14;
	v11 =	vmul.f32 v11, v4;
	v20 =	vadd.f32 v20, v3  }
0x178: {  	v13 =	vmul.f32 v13, v4;
	s24 =	sadd.s32 $0x6, s16;
	v22 =	vand.u32 $0x7E, v55;
	[tilespmem:v12+s8+$0x0] =	vst.idx.msk $0xffff, v8;
	v56 =	vadd.f32 v21, v3  }
0x179: {  	s28 =	sadd.s32 $0x7, s14;
	v62 =	vmov s24;
	v60 =	vadd.f32 v11, v3;
	v58 =	vbroadcast v22, $0x0;
	v59 =	vld.idx.msk [tilespmem:v52+s8+$0x0], $0xffff;
	[tilespmem:v7+s8+$0x0] =	vst.idx.msk $0xffff, v20  }
0x17a: {  	v10 =	vor.u32 v2, v10;
	s25 =	sadd.s32 $0x6, s17;
	v33 =	vmov s28;
	v24 =	vand.u32 $0x7E, v62;
	v20 =	vld.idx.msk [tilespmem:v19+s8+$0x0], $0xffff;
	[tilespmem:v9+s8+$0x0] =	vst.idx.msk $0xffff, v56  }
0x17b: {  	s26 =	sadd.s32 $0x6, s18;
	[tilespmem:v6+s8+$0x0] =	vst.idx.msk $0xffff, v60;
	v25 =	vmov s25;
	v61 =	vmul.f32 v54, v4;
	v63 =	vor.u32 v2, v58;
	v26 =	vld.idx.msk [tilespmem:v16+s8+$0x0], $0xffff  }
0x17c: {  	v27 =	vbroadcast v24, $0x0;
	v28 =	vand.u32 $0x7E, v25;
	v29 =	vmov s26;
	v30 =	vld.idx.msk [tilespmem:v14+s8+$0x0], $0xffff  }
0x17d: {  	v11 =	vadd.f32 v61, v3;
	v7 =	vbroadcast v28, $0x0;
	v9 =	vand.u32 $0x7E, v29  }
0x17e: {  	v6 =	vor.u32 v2, v27;
	v22 =	vmul.f32 v59, v4;
	v9 =	vbroadcast v9, $0x0  }
0x17f: {  	v35 =	vand.u32 $0x7F, v33;
	[tilespmem:v43+s8+$0x0] =	vst.idx.msk $0xffff, v11;
	v7 =	vor.u32 v2, v7;
	v31 =	vmul.f32 v20, v4  }
0x180: {  	v18 =	vld.idx.msk [tilespmem:v63+s8+$0x0], $0xffff;
	v32 =	vadd.f32 v22, v3;
	v9 =	vor.u32 v2, v9;
	v21 =	vmul.f32 v26, v4  }
0x181: {  	s15 =	sadd.s32 $0x7, s15;
	v38 =	vbroadcast v35, $0x0;
	v17 =	vmul.f32 v30, v4;
	v11 =	vadd.f32 v31, v3  }
0x182: {  	v57 =	vmov s15;
	s29 =	sadd.s32 $0x7, s16;
	v13 =	vadd.f32 v13, v3;
	[tilespmem:v52+s8+$0x0] =	vst.idx.msk $0xffff, v32;
	v34 =	vadd.f32 v21, v3  }
0x183: {  	s31 =	sadd.s32 $0x7, s18;
	v46 =	vor.u32 v2, v38;
	v39 =	vmov s29;
	v37 =	vadd.f32 v17, v3;
	v36 =	vld.idx.msk [tilespmem:v6+s8+$0x0], $0xffff;
	[tilespmem:v19+s8+$0x0] =	vst.idx.msk $0xffff, v11  }
0x184: {  	s30 =	sadd.s32 $0x7, s17;
	v42 =	vand.u32 $0x7F, v39;
	v45 =	vmov s31;
	v12 =	vand.u32 $0x7F, v57;
	v40 =	vld.idx.msk [tilespmem:v7+s8+$0x0], $0xffff;
	[tilespmem:v16+s8+$0x0] =	vst.idx.msk $0xffff, v34  }
0x185: {  	v12 =	vbroadcast v12, $0x0;
	v43 =	vmov s30;
	v41 =	vmul.f32 v18, v4;
	v44 =	vld.idx.msk [tilespmem:v9+s8+$0x0], $0xffff  }
0x186: {  	v48 =	vand.u32 $0x7F, v45;
	v18 =	vand.u32 $0x7F, v43;
	v16 =	vbroadcast v42, $0x0  }
0x187: {  	v12 =	vor.u32 v2, v12;
	v47 =	vbroadcast v18, $0x0;
	v15 =	vadd.f32 v41, v3  }
0x188: {  	[tilespmem:v5+s8+$0x0] =	vst.idx.msk $0xffff, v13;
	v51 =	vbroadcast v48, $0x0;
	v49 =	vmul.f32 v36, v4;
	v50 =	vor.u32 v2, v16  }
0x189: {  	v13 =	vor.u32 v2, v47;
	[tilespmem:v63+s8+$0x0] =	vst.idx.msk $0xffff, v15;
	v52 =	vmul.f32 v40, v4  }
0x18a: {  	v53 =	vld.idx.msk [tilespmem:v10+s8+$0x0], $0xffff;
	v11 =	vadd.f32 v49, v3;
	v2 =	vor.u32 v2, v51;
	v19 =	vmul.f32 v44, v4  }
0x18b: {  	[tilespmem:v14+s8+$0x0] =	vst.idx.msk $0xffff, v37;
	v15 =	vld.idx.msk [tilespmem:v46+s8+$0x0], $0xffff;
	v55 =	vadd.f32 v52, v3  }
0x18c: {  	v54 =	vld.idx.msk [tilespmem:v12+s8+$0x0], $0xffff;
	[tilespmem:v6+s8+$0x0] =	vst.idx.msk $0xffff, v11;
	v56 =	vadd.f32 v19, v3  }
0x18d: {  	v11 =	vld.idx.msk [tilespmem:v50+s8+$0x0], $0xffff;
	[tilespmem:v7+s8+$0x0] =	vst.idx.msk $0xffff, v55  }
0x18e: {  	v7 =	vld.idx.msk [tilespmem:v13+s8+$0x0], $0xffff;
	[tilespmem:v9+s8+$0x0] =	vst.idx.msk $0xffff, v56  }
0x18f: {  	v57 =	vmul.f32 v53, v4;
	v58 =	vld.idx.msk [tilespmem:v2+s8+$0x0], $0xffff  }
0x190: {  	v15 =	vmul.f32 v15, v4  }
0x191: {  	v59 =	vmul.f32 v54, v4;
	v6 =	vadd.f32 v57, v3  }
0x192: {  	s13 =	sadd.s32 $0x1, s13;
	v60 =	vadd.f32 v15, v3;
	v11 =	vmul.f32 v11, v4  }
0x193: {  	p0 =	sne.s32 s13, $0x8;
	[tilespmem:v10+s8+$0x0] =	vst.idx.msk $0xffff, v6;
	v9 =	vadd.f32 v59, v3;
	v7 =	vmul.f32 v7, v4  }
.Ltmp3:
0x194: {  	[tilespmem:v46+s8+$0x0] =	vst.idx.msk $0xffff, v60;
	v61 =	vadd.f32 v11, v3;
	v62 =	vmul.f32 v58, v4;
	(pc) =	sbr.rel @p0 .LBB2_3-.Ltmp3, $4  }
0x195: {  	[tilespmem:v12+s8+$0x0] =	vst.idx.msk $0xffff, v9;
	v63 =	vadd.f32 v7, v3  }
0x196: {  	[tilespmem:v50+s8+$0x0] =	vst.idx.msk $0xffff, v61;
	v3 =	vadd.f32 v62, v3  }
0x197: {  	[tilespmem:v13+s8+$0x0] =	vst.idx.msk $0xffff, v63  }
0x198: {  	[tilespmem:v2+s8+$0x0] =	vst.idx.msk $0xffff, v3  }
0x199: {  	s10 =	sadd.s32 $0x1, s10  }
0x19a: {  	p0 =	sne.s32 s10, $0x20  }
.Ltmp4:
0x19b: {  	s11 =	sadd.s32 s2, s11;
	(pc) =	sbr.rel @p0 .LBB2_2-.Ltmp4, $4  }
0x19c: {  	[hbm4b:s11+s4] =	stream.linear.scatter [tilespmem:s8], [sflag:$0x1], $0x4000, $0x38;
	[tilespmem:$0x8000] =	vst v63  }
0x19d: {  	_ =	swait.ge [sflag:s7], $0x4000  }
0x19e: {  	[sflag:s7] =	ssyncset.done $0x0  }
0x19f: {  	[sflag:s7] =	ssyncadd.s32 $0xFFFFC000  }
0x1a0: {  	s9 =	sadd.s32 $0x1, s9  }
0x1a1: {  	p0 =	sne.s32 s9, s6  }
.Ltmp5:
0x1a2: {  	_ = 	snop;
	(pc) =	sbr.rel @p0 .LBB2_1-.Ltmp5, $1  }
0x1a3: {  	_ =	sdelay $0x3  }
0x1a4: {  	_ =	sfence.sel $0x180000  }
0x1a5: {  	[bflag:$0x0] =	sbarrier.arrive $0xFFFF  }
0x1a6: {  	p0 =	sne.s32 s3, $0x0;
	_ =	strace $0x90000047  }
0x1a7: {  	s0 =	sadd.s32 @!p0 $0x100000, s0;
	[bflag:$0x2] =	sbarrier.arrive $0xFFFF  }
0x1a8: {  	[sflag:s0] =	ssyncadd.tile.s32 @!p0 $0x1;
	_ =	shalt  }
.Lfunc_end2:
_tile_overlayer_lowered:
.L_overlay_start_2:
0x1a9: {  	(tag) =	ssettag $0x2  }
0x1aa: {  	s0 =	rddreg [dreg:$0x0];
	s2 =	stileid.u32  }
0x1ab: {  	s1 =	rddreg [dreg:$0x1];
	p0 =	sne.s32 s2, $0x0  }
0x1ac: {  	s3 =	rddreg [dreg:$0x2];
	[bflag:$0x3] =	sbarrier.arrive $0xFFFF;
	s2 =	simm.s32 @!p0 $0x1C01  }
0x1ad: {  	[timem:s3], [sflag:s2] =	dma.local @!p0 [hbm:s0], s1  }
0x1ae: {  	s0 =	simm.s32 @!p0 $0x1  }
0x1af: {  	_ =	swait.ge @!p0 [sflag:s0], s1  }
0x1b0: {  	s1 =	ssub.s32 @!p0 $0x0, s1;
	[sflag:s0] =	ssyncset.done @!p0 $0x0  }
0x1b1: {  	[sflag:s0] =	ssyncadd.s32 @!p0 s1  }
0x1b2: {  	[bflag:$0x3] =	sbarrier.arrive $0xFFFF  }
0x1b3: {  	_ =	shalt  }

</sc_bundles>
